<compile_context>
chip_gen: v7x
topology: tpu7x:2x2x1
jax: 0.10.2.dev20260603
libtpu: 0.0.44.dev20260713+nightly
codegen_flags: <defaults>
</compile_context>

<pallas_src>
import jax
import jax.numpy as jnp
from jax import lax
from jax.experimental import pallas as pl
from jax.experimental.pallas import tpu as pltpu
from jax.experimental.pallas import tpu_sc as plsc

CTX = 5
D = 50
W = 128
NC, NS = 2, 16
NW = NC * NS
CHUNK = 128


def _transpose_pad_body(xt_ref, o_ref):
    x = xt_ref[...]
    o_ref[...] = jnp.pad(x.T, ((0, 0), (0, W - D)))


def _transpose_pad(table, vb=16384):
    V = table.shape[0]
    nblk = (V + vb - 1) // vb
    return pl.pallas_call(
        _transpose_pad_body,
        out_shape=jax.ShapeDtypeStruct((nblk * vb, W), jnp.float32),
        grid=(nblk,),
        in_specs=[pl.BlockSpec((D, vb), lambda i: (0, i))],
        out_specs=pl.BlockSpec((vb, W), lambda i: (i, 0)),
    )(table.T)


def _sc_ps_gather(idx_p_hbm, idx_s_hbm, pemb_hbm, semb_hbm, m_hbm, psum_hbm,
                  ip, isf, g2, g3, acc, mv, sem2, sem3):
    n_chunks = psum_hbm.shape[0] // (NW * CHUNK)
    wid = lax.axis_index("s") * NC + lax.axis_index("c")

    pltpu.sync_copy(m_hbm, mv)
    m = mv[...]

    def chunk_body(j, carry):
        row = wid * n_chunks + j
        pltpu.sync_copy(idx_p_hbm.at[row], ip)
        pltpu.sync_copy(idx_s_hbm.at[row], isf)
        cp2 = pltpu.async_copy(pemb_hbm.at[ip], g2, sem2)
        cp3 = pltpu.async_copy(semb_hbm.at[isf], g3, sem3)
        cp2.wait()
        cp3.wait()

        def row_body(r, c):
            for o in (0, 16, 32, 34):
                sl = pl.ds(o, 16)
                acc[r, sl] = m * (g2[r, sl] + g3[r, sl])
            return c

        lax.fori_loop(0, CHUNK, row_body, 0, unroll=2)
        pltpu.sync_copy(acc, psum_hbm.at[pl.ds(row * CHUNK, CHUNK)])
        return carry

    lax.fori_loop(0, n_chunks, chunk_body, 0)


def _sc_emb_add(idx_v_hbm, emb_hbm, psum_hbm, out_hbm,
                iv, g1, pbuf, acc, sem1, semp):
    n_chunks = out_hbm.shape[0] // (NW * CHUNK)
    wid = lax.axis_index("s") * NC + lax.axis_index("c")

    def chunk_body(j, carry):
        row = wid * n_chunks + j
        pltpu.sync_copy(idx_v_hbm.at[row], iv)
        cpp = pltpu.async_copy(psum_hbm.at[pl.ds(row * CHUNK, CHUNK)], pbuf,
                               semp)
        cp1 = pltpu.async_copy(emb_hbm.at[iv], g1, sem1)
        cpp.wait()
        cp1.wait()

        def row_body(r, c):
            for o in (0, 16, 32, 34):
                sl = pl.ds(o, 16)
                acc[r, sl] = pbuf[r, sl] + g1[r, sl]
            return c

        lax.fori_loop(0, CHUNK, row_body, 0, unroll=2)
        pltpu.sync_copy(acc, out_hbm.at[pl.ds(row * CHUNK, CHUNK)])
        return carry

    lax.fori_loop(0, n_chunks, chunk_body, 0)


def _mlp_body(x_ref, w1t_ref, b1_ref, w2t_ref, b2_ref, o_ref):
    x = x_ref[...]
    h = jnp.dot(x, w1t_ref[...], preferred_element_type=jnp.float32)
    h = jnp.maximum(h + b1_ref[...], 0.0)
    o = jnp.dot(h, w2t_ref[...], preferred_element_type=jnp.float32)
    o = o + b2_ref[...]
    mx = jnp.max(o, axis=1, keepdims=True)
    lse = jnp.log(jnp.sum(jnp.exp(o - mx), axis=1, keepdims=True)) + mx
    o_ref[...] = o - lse


def kernel(inputs, sub_words, p_inputs, s_inputs, emb, prefix_emb, suffix_emb,
           W1, b1, W2, b2):
    B = inputs.shape[1]
    R = B * CTX
    n_rows = R // CHUNK

    idx_v = inputs.T.reshape(n_rows, CHUNK).astype(jnp.int32)
    idx_p = p_inputs.T.reshape(n_rows, CHUNK).astype(jnp.int32)
    idx_s = s_inputs.T.reshape(n_rows, CHUNK).astype(jnp.int32)
    m_arr = jnp.broadcast_to(
        jnp.where(jnp.asarray(sub_words) != 0, 1.0, 0.0).astype(jnp.float32),
        (16,))

    pemb128 = _transpose_pad(prefix_emb)
    semb128 = _transpose_pad(suffix_emb)

    mesh = plsc.VectorSubcoreMesh(core_axis_name="c", subcore_axis_name="s")
    psum = pl.kernel(
        _sc_ps_gather,
        out_type=jax.ShapeDtypeStruct((R, W), jnp.float32),
        mesh=mesh,
        scratch_types=[
            pltpu.VMEM((CHUNK,), jnp.int32),
            pltpu.VMEM((CHUNK,), jnp.int32),
            pltpu.VMEM((CHUNK, W), jnp.float32),
            pltpu.VMEM((CHUNK, W), jnp.float32),
            pltpu.VMEM((CHUNK, W), jnp.float32),
            pltpu.VMEM((16,), jnp.float32),
            pltpu.SemaphoreType.DMA,
            pltpu.SemaphoreType.DMA,
        ],
    )(idx_p, idx_s, pemb128, semb128, m_arr)

    emb128 = _transpose_pad(emb)

    gathered = pl.kernel(
        _sc_emb_add,
        out_type=jax.ShapeDtypeStruct((R, W), jnp.float32),
        mesh=mesh,
        scratch_types=[
            pltpu.VMEM((CHUNK,), jnp.int32),
            pltpu.VMEM((CHUNK, W), jnp.float32),
            pltpu.VMEM((CHUNK, W), jnp.float32),
            pltpu.VMEM((CHUNK, W), jnp.float32),
            pltpu.SemaphoreType.DMA,
            pltpu.SemaphoreType.DMA,
        ],
    )(idx_v, emb128, psum)

    x = gathered[:, :D].reshape(B, CTX * D)

    blk = 2048
    log_probs = pl.pallas_call(
        _mlp_body,
        out_shape=jax.ShapeDtypeStruct((B, W2.shape[0]), jnp.float32),
        grid=(B // blk,),
        in_specs=[
            pl.BlockSpec((blk, CTX * D), lambda i: (i, 0)),
            pl.BlockSpec((CTX * D, 128), lambda i: (0, 0)),
            pl.BlockSpec((1, 128), lambda i: (0, 0)),
            pl.BlockSpec((128, W2.shape[0]), lambda i: (0, 0)),
            pl.BlockSpec((1, W2.shape[0]), lambda i: (0, 0)),
        ],
        out_specs=pl.BlockSpec((blk, W2.shape[0]), lambda i: (i, 0)),
    )(x, W1.T, b1.reshape(1, -1), W2.T, b2.reshape(1, -1))

    return log_probs

# --- scband reference (transcript-rebuilt; emitter-appended) ---
"""Pipeline reference for scband-ngram-language-modeler-52647709114726 (READ-ONLY COPY).

The authoritative reference and input builder live on the scoring server;
editing this copy changes nothing except your own understanding.
"""

import jax, jax.numpy as jnp
import numpy as np

CONTEXT_SIZE = 5
EMBEDDING_DIM = 50

def setup_inputs(seed: int = 0) -> dict:
    key = jax.random.key(seed)
    ks = jax.random.split(key, 12)
    B = 16384
    vocab_size = 1000000
    prefix_size = 100000
    suffix_size = 100000
    tags_size = 50
    inputs = jax.random.randint(ks[0], (CONTEXT_SIZE, B), 0, vocab_size, dtype=jnp.int64) if jax.config.jax_enable_x64 else jax.random.randint(ks[0], (CONTEXT_SIZE, B), 0, vocab_size, dtype=jnp.int32)
    p_inputs = jax.random.randint(ks[1], (CONTEXT_SIZE, B), 0, prefix_size, dtype=inputs.dtype)
    s_inputs = jax.random.randint(ks[2], (CONTEXT_SIZE, B), 0, suffix_size, dtype=inputs.dtype)
    emb = jax.random.normal(ks[3], (vocab_size + 1, EMBEDDING_DIM), dtype=jnp.float32)
    prefix_emb = jax.random.normal(ks[4], (prefix_size + 1, EMBEDDING_DIM), dtype=jnp.float32)
    suffix_emb = jax.random.normal(ks[5], (suffix_size + 1, EMBEDDING_DIM), dtype=jnp.float32)
    in_dim = CONTEXT_SIZE * EMBEDDING_DIM
    W1 = jax.random.normal(ks[6], (128, in_dim), dtype=jnp.float32) * (1.0 / np.sqrt(in_dim))
    b1 = jax.random.normal(ks[7], (128,), dtype=jnp.float32) * 0.01
    W2 = jax.random.normal(ks[8], (tags_size, 128), dtype=jnp.float32) * (1.0 / np.sqrt(128))
    b2 = jax.random.normal(ks[9], (tags_size,), dtype=jnp.float32) * 0.01
    return {"inputs": inputs, "sub_words": 1, "p_inputs": p_inputs, "s_inputs": s_inputs,
            "emb": emb, "prefix_emb": prefix_emb, "suffix_emb": suffix_emb,
            "W1": W1, "b1": b1, "W2": W2, "b2": b2}

def reference(inputs, sub_words, p_inputs, s_inputs, emb, prefix_emb, suffix_emb, W1, b1, W2, b2):
    # embeds = embeddings(inputs.t())  -> [B, CONTEXT_SIZE, EMBEDDING_DIM]
    embeds = jnp.take(emb, inputs.T, axis=0)
    embeds = embeds.reshape(embeds.shape[0], CONTEXT_SIZE * EMBEDDING_DIM)
    embeds_p = jnp.take(prefix_emb, p_inputs.T, axis=0)
    embeds_p = embeds_p.reshape(embeds_p.shape[0], CONTEXT_SIZE * EMBEDDING_DIM)
    embeds_s = jnp.take(suffix_emb, s_inputs.T, axis=0)
    embeds_s = embeds_s.reshape(embeds_s.shape[0], CONTEXT_SIZE * EMBEDDING_DIM)
    embeds = jnp.where(jnp.asarray(sub_words) != 0, embeds_p + embeds + embeds_s, embeds)
    out = jax.nn.relu(embeds @ W1.T + b1)
    out = out @ W2.T + b2
    log_probs = jax.nn.log_softmax(out, axis=1)
    return log_probs

if __name__ == "__main__":
    import jax
    _d = setup_inputs()
    print(jax.jit(kernel)(*tuple(_d.values())))

</pallas_src>

<mosaic_0001>
#map = affine_map<(d0, d1) -> (0, 0)>
module attributes {stable_mosaic.version = 14 : i64} {
  func.func @_sc_emb_add(%arg0: i32, %arg1: i32, %arg2: memref<640x128xi32, #tpu.memory_space<hbm>>, %arg3: memref<1015808x128xf32, #tpu.memory_space<hbm>>, %arg4: memref<81920x128xf32, #tpu.memory_space<hbm>>, %arg5: memref<81920x128xf32, #tpu.memory_space<hbm>>, %arg6: memref<128xi32, #tpu.memory_space<vmem>>, %arg7: memref<128x128xf32, #tpu.memory_space<vmem>>, %arg8: memref<128x128xf32, #tpu.memory_space<vmem>>, %arg9: memref<128x128xf32, #tpu.memory_space<vmem>>, %arg10: memref<!tpu.dma_semaphore, #tpu.memory_space<semaphore_mem>>, %arg11: memref<!tpu.dma_semaphore, #tpu.memory_space<semaphore_mem>>) attributes {dimension_semantics = [#tpu.dimension_semantics<core_parallel>, #tpu.dimension_semantics<subcore_parallel>], iteration_bounds = array<i64: 2, 16>, scalar_prefetch = 0 : i64, scratch_operands = 6 : i64, tpu.core_type = #tpu.core_type<sc_vector_subcore>, window_params = [{transform_indices = #map}, {transform_indices = #map}, {transform_indices = #map}, {transform_indices = #map}]} {
    %mul3A = arith.constant 2 : i32
    %mul3A_0 = arith.muli %arg1, %mul3A : i32
    %add3A = arith.addi %mul3A_0, %arg0 : i32
    %scan3A = arith.constant 0 : i32
    %scan3A_1 = arith.constant 0 : i32
    %scan3A_2 = arith.constant 20 : i32
    %scan3A_3 = arith.addi %scan3A_1, %scan3A_2 : i32
    %scan3A_4 = arith.constant 1 : i32
    scf.for %scan3A_6 = %scan3A_1 to %scan3A_3 step %scan3A_4  : i32 {
      %mul3A_7 = arith.constant 20 : i32
      %mul3A_8 = arith.muli %add3A, %mul3A_7 : i32
      %add3A_9 = arith.addi %mul3A_8, %scan3A_6 : i32
      "tpu.region"() ({
        %run_scoped3A = tpu.sem_alloc : memref<!tpu.dma_semaphore, #tpu.memory_space<semaphore_mem>>
        %dma_start3A_32 = arith.constant 0 : i32
        %dma_start3A_33 = tpu.memref_slice %arg2[%add3A_9, %dma_start3A_32] : memref<640x128xi32, #tpu.memory_space<hbm>> -> memref<1x128xi32, #tpu.memory_space<hbm>>
        %dma_start3A_34 = tpu.memref_squeeze %dma_start3A_33 : memref<1x128xi32, #tpu.memory_space<hbm>> -> memref<128xi32, #tpu.memory_space<hbm>>
        %dma_start3A_35 = arith.constant 0 : i32
        %dma_start3A_36 = tpu.memref_slice %arg2[%add3A_9, %dma_start3A_35] : memref<640x128xi32, #tpu.memory_space<hbm>> -> memref<1x128xi32, #tpu.memory_space<hbm>>
        %dma_start3A_37 = tpu.memref_squeeze %dma_start3A_36 : memref<1x128xi32, #tpu.memory_space<hbm>> -> memref<128xi32, #tpu.memory_space<hbm>>
        tpu.enqueue_dma source(%dma_start3A_37 : memref<128xi32, #tpu.memory_space<hbm>>) target(%arg6 : memref<128xi32, #tpu.memory_space<vmem>>) target_semaphore(%run_scoped3A : memref<!tpu.dma_semaphore, #tpu.memory_space<semaphore_mem>>)
        %dma_wait3A_38 = arith.constant 0 : i32
        %dma_wait3A_39 = tpu.memref_slice %arg2[%add3A_9, %dma_wait3A_38] : memref<640x128xi32, #tpu.memory_space<hbm>> -> memref<1x128xi32, #tpu.memory_space<hbm>>
        %dma_wait3A_40 = tpu.memref_squeeze %dma_wait3A_39 : memref<1x128xi32, #tpu.memory_space<hbm>> -> memref<128xi32, #tpu.memory_space<hbm>>
        %dma_wait3A_41 = arith.constant 0 : i32
        %dma_wait3A_42 = tpu.memref_slice %arg2[%add3A_9, %dma_wait3A_41] : memref<640x128xi32, #tpu.memory_space<hbm>> -> memref<1x128xi32, #tpu.memory_space<hbm>>
        %dma_wait3A_43 = tpu.memref_squeeze %dma_wait3A_42 : memref<1x128xi32, #tpu.memory_space<hbm>> -> memref<128xi32, #tpu.memory_space<hbm>>
        tpu.wait_dma2 semaphore(%run_scoped3A : memref<!tpu.dma_semaphore, #tpu.memory_space<semaphore_mem>>) src(%dma_wait3A_43 : memref<128xi32, #tpu.memory_space<hbm>>) dst(%arg6 : memref<128xi32, #tpu.memory_space<vmem>>)
        tpu.yield
      }) : () -> ()
      %mul3A_10 = arith.constant 128 : i32
      %mul3A_11 = arith.muli %add3A_9, %mul3A_10 : i32
      %dma_start3A = arith.constant 0 : i32
      %dma_start3A_12 = tpu.memref_slice %arg4[%mul3A_11, %dma_start3A] : memref<81920x128xf32, #tpu.memory_space<hbm>> -> memref<128x128xf32, #tpu.memory_space<hbm>>
      %dma_start3A_13 = arith.constant 0 : i32
      %dma_start3A_14 = tpu.memref_slice %arg4[%mul3A_11, %dma_start3A_13] : memref<81920x128xf32, #tpu.memory_space<hbm>> -> memref<128x128xf32, #tpu.memory_space<hbm>>
      tpu.enqueue_dma source(%dma_start3A_14 : memref<128x128xf32, #tpu.memory_space<hbm>>) target(%arg8 : memref<128x128xf32, #tpu.memory_space<vmem>>) target_semaphore(%arg11 : memref<!tpu.dma_semaphore, #tpu.memory_space<semaphore_mem>>)
      %dma_start3A_15 = arith.constant 0 : i32
      %dma_start3A_16 = arith.constant 0 : i32
      %dma_start3A_17 = tpu.memref_slice %arg3[%dma_start3A_15, %dma_start3A_16] : memref<1015808x128xf32, #tpu.memory_space<hbm>> -> memref<1015808x128xf32, #tpu.memory_space<hbm>>
      tpu.enqueue_indirect_dma source(%dma_start3A_17 : memref<1015808x128xf32, #tpu.memory_space<hbm>>) target(%arg7 : memref<128x128xf32, #tpu.memory_space<vmem>>) offsets(%arg6 : memref<128xi32, #tpu.memory_space<vmem>>) semaphore(%arg10 : memref<!tpu.dma_semaphore, #tpu.memory_space<semaphore_mem>>)
      %dma_wait3A = arith.constant 0 : i32
      %dma_wait3A_18 = tpu.memref_slice %arg4[%mul3A_11, %dma_wait3A] : memref<81920x128xf32, #tpu.memory_space<hbm>> -> memref<128x128xf32, #tpu.memory_space<hbm>>
      %dma_wait3A_19 = arith.constant 0 : i32
      %dma_wait3A_20 = tpu.memref_slice %arg4[%mul3A_11, %dma_wait3A_19] : memref<81920x128xf32, #tpu.memory_space<hbm>> -> memref<128x128xf32, #tpu.memory_space<hbm>>
      tpu.wait_dma2 semaphore(%arg11 : memref<!tpu.dma_semaphore, #tpu.memory_space<semaphore_mem>>) src(%dma_wait3A_20 : memref<128x128xf32, #tpu.memory_space<hbm>>) dst(%arg8 : memref<128x128xf32, #tpu.memory_space<vmem>>)
      %dma_wait3A_21 = arith.constant 0 : i32
      %dma_wait3A_22 = arith.constant 0 : i32
      %dma_wait3A_23 = tpu.memref_slice %arg3[%dma_wait3A_21, %dma_wait3A_22] : memref<1015808x128xf32, #tpu.memory_space<hbm>> -> memref<1015808x128xf32, #tpu.memory_space<hbm>>
      tpu.wait_indirect_dma semaphore(%arg10 : memref<!tpu.dma_semaphore, #tpu.memory_space<semaphore_mem>>) src(%dma_wait3A_23 : memref<1015808x128xf32, #tpu.memory_space<hbm>>) dst(%arg7 : memref<128x128xf32, #tpu.memory_space<vmem>>)
      %scan3A_24 = arith.constant 0 : i32
      %scan3A_25 = arith.constant 0 : i32
      %scan3A_26 = arith.constant 128 : i32
      %scan3A_27 = arith.addi %scan3A_25, %scan3A_26 : i32
      %scan3A_28 = arith.constant 2 : i32
      scf.for %scan3A_32 = %scan3A_25 to %scan3A_27 step %scan3A_28  : i32 {
        %get3A = arith.index_cast %scan3A_32 : i32 to index
        %get3A_33 = arith.constant 0 : index
        %get3A_34 = tpu.vector_load %arg8[%get3A, %get3A_33] {strides = array<i32>} : memref<128x128xf32, #tpu.memory_space<vmem>>, vector<1x16xf32>,
        %get3A_35 = vector.shape_cast %get3A_34 : vector<1x16xf32> to vector<16xf32>
        %get3A_36 = arith.index_cast %scan3A_32 : i32 to index
        %get3A_37 = arith.constant 0 : index
        %get3A_38 = tpu.vector_load %arg7[%get3A_36, %get3A_37] {strides = array<i32>} : memref<128x128xf32, #tpu.memory_space<vmem>>, vector<1x16xf32>,
        %get3A_39 = vector.shape_cast %get3A_38 : vector<1x16xf32> to vector<16xf32>
        %add3A_40 = arith.addf %get3A_35, %get3A_39 : vector<16xf32>
        %swap3A = arith.index_cast %scan3A_32 : i32 to index
        %swap3A_41 = arith.constant 0 : index
        %swap3A_42 = tpu.vector_load %arg9[%swap3A, %swap3A_41] {strides = array<i32>} : memref<128x128xf32, #tpu.memory_space<vmem>>, vector<1x16xf32>,
        %swap3A_43 = vector.shape_cast %swap3A_42 : vector<1x16xf32> to vector<16xf32>
        %swap3A_44 = vector.shape_cast %add3A_40 : vector<16xf32> to vector<1x16xf32>
        tpu.vector_store %arg9[%swap3A, %swap3A_41], %swap3A_44 {strides = array<i32>} : memref<128x128xf32, #tpu.memory_space<vmem>>, vector<1x16xf32>,
        %get3A_45 = arith.index_cast %scan3A_32 : i32 to index
        %get3A_46 = arith.constant 16 : index
        %get3A_47 = tpu.vector_load %arg8[%get3A_45, %get3A_46] {strides = array<i32>} : memref<128x128xf32, #tpu.memory_space<vmem>>, vector<1x16xf32>,
        %get3A_48 = vector.shape_cast %get3A_47 : vector<1x16xf32> to vector<16xf32>
        %get3A_49 = arith.index_cast %scan3A_32 : i32 to index
        %get3A_50 = arith.constant 16 : index
        %get3A_51 = tpu.vector_load %arg7[%get3A_49, %get3A_50] {strides = array<i32>} : memref<128x128xf32, #tpu.memory_space<vmem>>, vector<1x16xf32>,
        %get3A_52 = vector.shape_cast %get3A_51 : vector<1x16xf32> to vector<16xf32>
        %add3A_53 = arith.addf %get3A_48, %get3A_52 : vector<16xf32>
        %swap3A_54 = arith.index_cast %scan3A_32 : i32 to index
        %swap3A_55 = arith.constant 16 : index
        %swap3A_56 = tpu.vector_load %arg9[%swap3A_54, %swap3A_55] {strides = array<i32>} : memref<128x128xf32, #tpu.memory_space<vmem>>, vector<1x16xf32>,
        %swap3A_57 = vector.shape_cast %swap3A_56 : vector<1x16xf32> to vector<16xf32>
        %swap3A_58 = vector.shape_cast %add3A_53 : vector<16xf32> to vector<1x16xf32>
        tpu.vector_store %arg9[%swap3A_54, %swap3A_55], %swap3A_58 {strides = array<i32>} : memref<128x128xf32, #tpu.memory_space<vmem>>, vector<1x16xf32>,
        %get3A_59 = arith.index_cast %scan3A_32 : i32 to index
        %get3A_60 = arith.constant 32 : index
        %get3A_61 = tpu.vector_load %arg8[%get3A_59, %get3A_60] {strides = array<i32>} : memref<128x128xf32, #tpu.memory_space<vmem>>, vector<1x16xf32>,
        %get3A_62 = vector.shape_cast %get3A_61 : vector<1x16xf32> to vector<16xf32>
        %get3A_63 = arith.index_cast %scan3A_32 : i32 to index
        %get3A_64 = arith.constant 32 : index
        %get3A_65 = tpu.vector_load %arg7[%get3A_63, %get3A_64] {strides = array<i32>} : memref<128x128xf32, #tpu.memory_space<vmem>>, vector<1x16xf32>,
        %get3A_66 = vector.shape_cast %get3A_65 : vector<1x16xf32> to vector<16xf32>
        %add3A_67 = arith.addf %get3A_62, %get3A_66 : vector<16xf32>
        %swap3A_68 = arith.index_cast %scan3A_32 : i32 to index
        %swap3A_69 = arith.constant 32 : index
        %swap3A_70 = tpu.vector_load %arg9[%swap3A_68, %swap3A_69] {strides = array<i32>} : memref<128x128xf32, #tpu.memory_space<vmem>>, vector<1x16xf32>,
        %swap3A_71 = vector.shape_cast %swap3A_70 : vector<1x16xf32> to vector<16xf32>
        %swap3A_72 = vector.shape_cast %add3A_67 : vector<16xf32> to vector<1x16xf32>
        tpu.vector_store %arg9[%swap3A_68, %swap3A_69], %swap3A_72 {strides = array<i32>} : memref<128x128xf32, #tpu.memory_space<vmem>>, vector<1x16xf32>,
        %get3A_73 = arith.index_cast %scan3A_32 : i32 to index
        %get3A_74 = arith.constant 34 : index
        %get3A_75 = tpu.vector_load %arg8[%get3A_73, %get3A_74] {strides = array<i32>} : memref<128x128xf32, #tpu.memory_space<vmem>>, vector<1x16xf32>,
        %get3A_76 = vector.shape_cast %get3A_75 : vector<1x16xf32> to vector<16xf32>
        %get3A_77 = arith.index_cast %scan3A_32 : i32 to index
        %get3A_78 = arith.constant 34 : index
        %get3A_79 = tpu.vector_load %arg7[%get3A_77, %get3A_78] {strides = array<i32>} : memref<128x128xf32, #tpu.memory_space<vmem>>, vector<1x16xf32>,
        %get3A_80 = vector.shape_cast %get3A_79 : vector<1x16xf32> to vector<16xf32>
        %add3A_81 = arith.addf %get3A_76, %get3A_80 : vector<16xf32>
        %swap3A_82 = arith.index_cast %scan3A_32 : i32 to index
        %swap3A_83 = arith.constant 34 : index
        %swap3A_84 = tpu.vector_load %arg9[%swap3A_82, %swap3A_83] {strides = array<i32>} : memref<128x128xf32, #tpu.memory_space<vmem>>, vector<1x16xf32>,
        %swap3A_85 = vector.shape_cast %swap3A_84 : vector<1x16xf32> to vector<16xf32>
        %swap3A_86 = vector.shape_cast %add3A_81 : vector<16xf32> to vector<1x16xf32>
        tpu.vector_store %arg9[%swap3A_82, %swap3A_83], %swap3A_86 {strides = array<i32>} : memref<128x128xf32, #tpu.memory_space<vmem>>, vector<1x16xf32>,
        %scan3A_87 = arith.constant 1 : i32
        %scan3A_88 = arith.addi %scan3A_32, %scan3A_87 : i32
        %get3A_89 = arith.index_cast %scan3A_88 : i32 to index
        %get3A_90 = arith.constant 0 : index
        %get3A_91 = tpu.vector_load %arg8[%get3A_89, %get3A_90] {strides = array<i32>} : memref<128x128xf32, #tpu.memory_space<vmem>>, vector<1x16xf32>,
        %get3A_92 = vector.shape_cast %get3A_91 : vector<1x16xf32> to vector<16xf32>
        %get3A_93 = arith.index_cast %scan3A_88 : i32 to index
        %get3A_94 = arith.constant 0 : index
        %get3A_95 = tpu.vector_load %arg7[%get3A_93, %get3A_94] {strides = array<i32>} : memref<128x128xf32, #tpu.memory_space<vmem>>, vector<1x16xf32>,
        %get3A_96 = vector.shape_cast %get3A_95 : vector<1x16xf32> to vector<16xf32>
        %add3A_97 = arith.addf %get3A_92, %get3A_96 : vector<16xf32>
        %swap3A_98 = arith.index_cast %scan3A_88 : i32 to index
        %swap3A_99 = arith.constant 0 : index
        %swap3A_100 = tpu.vector_load %arg9[%swap3A_98, %swap3A_99] {strides = array<i32>} : memref<128x128xf32, #tpu.memory_space<vmem>>, vector<1x16xf32>,
        %swap3A_101 = vector.shape_cast %swap3A_100 : vector<1x16xf32> to vector<16xf32>
        %swap3A_102 = vector.shape_cast %add3A_97 : vector<16xf32> to vector<1x16xf32>
        tpu.vector_store %arg9[%swap3A_98, %swap3A_99], %swap3A_102 {strides = array<i32>} : memref<128x128xf32, #tpu.memory_space<vmem>>, vector<1x16xf32>,
        %get3A_103 = arith.index_cast %scan3A_88 : i32 to index
        %get3A_104 = arith.constant 16 : index
        %get3A_105 = tpu.vector_load %arg8[%get3A_103, %get3A_104] {strides = array<i32>} : memref<128x128xf32, #tpu.memory_space<vmem>>, vector<1x16xf32>,
        %get3A_106 = vector.shape_cast %get3A_105 : vector<1x16xf32> to vector<16xf32>
        %get3A_107 = arith.index_cast %scan3A_88 : i32 to index
        %get3A_108 = arith.constant 16 : index
        %get3A_109 = tpu.vector_load %arg7[%get3A_107, %get3A_108] {strides = array<i32>} : memref<128x128xf32, #tpu.memory_space<vmem>>, vector<1x16xf32>,
        %get3A_110 = vector.shape_cast %get3A_109 : vector<1x16xf32> to vector<16xf32>
        %add3A_111 = arith.addf %get3A_106, %get3A_110 : vector<16xf32>
        %swap3A_112 = arith.index_cast %scan3A_88 : i32 to index
        %swap3A_113 = arith.constant 16 : index
        %swap3A_114 = tpu.vector_load %arg9[%swap3A_112, %swap3A_113] {strides = array<i32>} : memref<128x128xf32, #tpu.memory_space<vmem>>, vector<1x16xf32>,
        %swap3A_115 = vector.shape_cast %swap3A_114 : vector<1x16xf32> to vector<16xf32>
        %swap3A_116 = vector.shape_cast %add3A_111 : vector<16xf32> to vector<1x16xf32>
        tpu.vector_store %arg9[%swap3A_112, %swap3A_113], %swap3A_116 {strides = array<i32>} : memref<128x128xf32, #tpu.memory_space<vmem>>, vector<1x16xf32>,
        %get3A_117 = arith.index_cast %scan3A_88 : i32 to index
        %get3A_118 = arith.constant 32 : index
        %get3A_119 = tpu.vector_load %arg8[%get3A_117, %get3A_118] {strides = array<i32>} : memref<128x128xf32, #tpu.memory_space<vmem>>, vector<1x16xf32>,
        %get3A_120 = vector.shape_cast %get3A_119 : vector<1x16xf32> to vector<16xf32>
        %get3A_121 = arith.index_cast %scan3A_88 : i32 to index
        %get3A_122 = arith.constant 32 : index
        %get3A_123 = tpu.vector_load %arg7[%get3A_121, %get3A_122] {strides = array<i32>} : memref<128x128xf32, #tpu.memory_space<vmem>>, vector<1x16xf32>,
        %get3A_124 = vector.shape_cast %get3A_123 : vector<1x16xf32> to vector<16xf32>
        %add3A_125 = arith.addf %get3A_120, %get3A_124 : vector<16xf32>
        %swap3A_126 = arith.index_cast %scan3A_88 : i32 to index
        %swap3A_127 = arith.constant 32 : index
        %swap3A_128 = tpu.vector_load %arg9[%swap3A_126, %swap3A_127] {strides = array<i32>} : memref<128x128xf32, #tpu.memory_space<vmem>>, vector<1x16xf32>,
        %swap3A_129 = vector.shape_cast %swap3A_128 : vector<1x16xf32> to vector<16xf32>
        %swap3A_130 = vector.shape_cast %add3A_125 : vector<16xf32> to vector<1x16xf32>
        tpu.vector_store %arg9[%swap3A_126, %swap3A_127], %swap3A_130 {strides = array<i32>} : memref<128x128xf32, #tpu.memory_space<vmem>>, vector<1x16xf32>,
        %get3A_131 = arith.index_cast %scan3A_88 : i32 to index
        %get3A_132 = arith.constant 34 : index
        %get3A_133 = tpu.vector_load %arg8[%get3A_131, %get3A_132] {strides = array<i32>} : memref<128x128xf32, #tpu.memory_space<vmem>>, vector<1x16xf32>,
        %get3A_134 = vector.shape_cast %get3A_133 : vector<1x16xf32> to vector<16xf32>
        %get3A_135 = arith.index_cast %scan3A_88 : i32 to index
        %get3A_136 = arith.constant 34 : index
        %get3A_137 = tpu.vector_load %arg7[%get3A_135, %get3A_136] {strides = array<i32>} : memref<128x128xf32, #tpu.memory_space<vmem>>, vector<1x16xf32>,
        %get3A_138 = vector.shape_cast %get3A_137 : vector<1x16xf32> to vector<16xf32>
        %add3A_139 = arith.addf %get3A_134, %get3A_138 : vector<16xf32>
        %swap3A_140 = arith.index_cast %scan3A_88 : i32 to index
        %swap3A_141 = arith.constant 34 : index
        %swap3A_142 = tpu.vector_load %arg9[%swap3A_140, %swap3A_141] {strides = array<i32>} : memref<128x128xf32, #tpu.memory_space<vmem>>, vector<1x16xf32>,
        %swap3A_143 = vector.shape_cast %swap3A_142 : vector<1x16xf32> to vector<16xf32>
        %swap3A_144 = vector.shape_cast %add3A_139 : vector<16xf32> to vector<1x16xf32>
        tpu.vector_store %arg9[%swap3A_140, %swap3A_141], %swap3A_144 {strides = array<i32>} : memref<128x128xf32, #tpu.memory_space<vmem>>, vector<1x16xf32>,
      }
      %scan3A_29 = arith.constant 128 : i32
      %mul3A_30 = arith.constant 128 : i32
      %mul3A_31 = arith.muli %add3A_9, %mul3A_30 : i32
      "tpu.region"() ({
        %run_scoped3A = tpu.sem_alloc : memref<!tpu.dma_semaphore, #tpu.memory_space<semaphore_mem>>
        %dma_start3A_32 = arith.constant 0 : i32
        %dma_start3A_33 = tpu.memref_slice %arg5[%mul3A_31, %dma_start3A_32] : memref<81920x128xf32, #tpu.memory_space<hbm>> -> memref<128x128xf32, #tpu.memory_space<hbm>>
        %dma_start3A_34 = arith.constant 0 : i32
        %dma_start3A_35 = tpu.memref_slice %arg5[%mul3A_31, %dma_start3A_34] : memref<81920x128xf32, #tpu.memory_space<hbm>> -> memref<128x128xf32, #tpu.memory_space<hbm>>
        tpu.enqueue_dma source(%arg9 : memref<128x128xf32, #tpu.memory_space<vmem>>) target(%dma_start3A_35 : memref<128x128xf32, #tpu.memory_space<hbm>>) target_semaphore(%run_scoped3A : memref<!tpu.dma_semaphore, #tpu.memory_space<semaphore_mem>>)
        %dma_wait3A_36 = arith.constant 0 : i32
        %dma_wait3A_37 = tpu.memref_slice %arg5[%mul3A_31, %dma_wait3A_36] : memref<81920x128xf32, #tpu.memory_space<hbm>> -> memref<128x128xf32, #tpu.memory_space<hbm>>
        %dma_wait3A_38 = arith.constant 0 : i32
        %dma_wait3A_39 = tpu.memref_slice %arg5[%mul3A_31, %dma_wait3A_38] : memref<81920x128xf32, #tpu.memory_space<hbm>> -> memref<128x128xf32, #tpu.memory_space<hbm>>
        tpu.wait_dma2 semaphore(%run_scoped3A : memref<!tpu.dma_semaphore, #tpu.memory_space<semaphore_mem>>) src(%arg9 : memref<128x128xf32, #tpu.memory_space<vmem>>) dst(%dma_wait3A_39 : memref<128x128xf32, #tpu.memory_space<hbm>>)
        tpu.yield
      }) : () -> ()
    }
    %scan3A_5 = arith.constant 20 : i32
    return
  }
}

#map = affine_map<(d0, d1) -> (0, 0)>
#map1 = affine_map<(d0, d1) -> (0)>
module attributes {stable_mosaic.version = 14 : i64} {
  func.func @_sc_ps_gather(%arg0: i32, %arg1: i32, %arg2: memref<640x128xi32, #tpu.memory_space<hbm>>, %arg3: memref<640x128xi32, #tpu.memory_space<hbm>>, %arg4: memref<114688x128xf32, #tpu.memory_space<hbm>>, %arg5: memref<114688x128xf32, #tpu.memory_space<hbm>>, %arg6: memref<16xf32, #tpu.memory_space<hbm>>, %arg7: memref<81920x128xf32, #tpu.memory_space<hbm>>, %arg8: memref<128xi32, #tpu.memory_space<vmem>>, %arg9: memref<128xi32, #tpu.memory_space<vmem>>, %arg10: memref<128x128xf32, #tpu.memory_space<vmem>>, %arg11: memref<128x128xf32, #tpu.memory_space<vmem>>, %arg12: memref<128x128xf32, #tpu.memory_space<vmem>>, %arg13: memref<16xf32, #tpu.memory_space<vmem>>, %arg14: memref<!tpu.dma_semaphore, #tpu.memory_space<semaphore_mem>>, %arg15: memref<!tpu.dma_semaphore, #tpu.memory_space<semaphore_mem>>) attributes {dimension_semantics = [#tpu.dimension_semantics<core_parallel>, #tpu.dimension_semantics<subcore_parallel>], iteration_bounds = array<i64: 2, 16>, scalar_prefetch = 0 : i64, scratch_operands = 8 : i64, tpu.core_type = #tpu.core_type<sc_vector_subcore>, window_params = [{transform_indices = #map}, {transform_indices = #map}, {transform_indices = #map}, {transform_indices = #map}, {transform_indices = #map1}, {transform_indices = #map}]} {
    %mul3A = arith.constant 2 : i32
    %mul3A_0 = arith.muli %arg1, %mul3A : i32
    %add3A = arith.addi %mul3A_0, %arg0 : i32
    "tpu.region"() ({
      %run_scoped3A = tpu.sem_alloc : memref<!tpu.dma_semaphore, #tpu.memory_space<semaphore_mem>>
      tpu.enqueue_dma source(%arg6 : memref<16xf32, #tpu.memory_space<hbm>>) target(%arg13 : memref<16xf32, #tpu.memory_space<vmem>>) target_semaphore(%run_scoped3A : memref<!tpu.dma_semaphore, #tpu.memory_space<semaphore_mem>>)
      tpu.wait_dma2 semaphore(%run_scoped3A : memref<!tpu.dma_semaphore, #tpu.memory_space<semaphore_mem>>) src(%arg6 : memref<16xf32, #tpu.memory_space<hbm>>) dst(%arg13 : memref<16xf32, #tpu.memory_space<vmem>>)
      tpu.yield
    }) : () -> ()
    %get3A = arith.constant 0 : index
    %get3A_1 = tpu.vector_load %arg13[%get3A] {strides = array<i32>} : memref<16xf32, #tpu.memory_space<vmem>>, vector<16xf32>,
    %get3A_2 = vector.shape_cast %get3A_1 : vector<16xf32> to vector<16xf32>
    %scan3A = arith.constant 0 : i32
    %scan3A_3 = arith.constant 0 : i32
    %scan3A_4 = arith.constant 20 : i32
    %scan3A_5 = arith.addi %scan3A_3, %scan3A_4 : i32
    %scan3A_6 = arith.constant 1 : i32
    scf.for %scan3A_8 = %scan3A_3 to %scan3A_5 step %scan3A_6  : i32 {
      %mul3A_9 = arith.constant 20 : i32
      %mul3A_10 = arith.muli %add3A, %mul3A_9 : i32
      %add3A_11 = arith.addi %mul3A_10, %scan3A_8 : i32
      "tpu.region"() ({
        %run_scoped3A = tpu.sem_alloc : memref<!tpu.dma_semaphore, #tpu.memory_space<semaphore_mem>>
        %dma_start3A_30 = arith.constant 0 : i32
        %dma_start3A_31 = tpu.memref_slice %arg2[%add3A_11, %dma_start3A_30] : memref<640x128xi32, #tpu.memory_space<hbm>> -> memref<1x128xi32, #tpu.memory_space<hbm>>
        %dma_start3A_32 = tpu.memref_squeeze %dma_start3A_31 : memref<1x128xi32, #tpu.memory_space<hbm>> -> memref<128xi32, #tpu.memory_space<hbm>>
        %dma_start3A_33 = arith.constant 0 : i32
        %dma_start3A_34 = tpu.memref_slice %arg2[%add3A_11, %dma_start3A_33] : memref<640x128xi32, #tpu.memory_space<hbm>> -> memref<1x128xi32, #tpu.memory_space<hbm>>
        %dma_start3A_35 = tpu.memref_squeeze %dma_start3A_34 : memref<1x128xi32, #tpu.memory_space<hbm>> -> memref<128xi32, #tpu.memory_space<hbm>>
        tpu.enqueue_dma source(%dma_start3A_35 : memref<128xi32, #tpu.memory_space<hbm>>) target(%arg8 : memref<128xi32, #tpu.memory_space<vmem>>) target_semaphore(%run_scoped3A : memref<!tpu.dma_semaphore, #tpu.memory_space<semaphore_mem>>)
        %dma_wait3A_36 = arith.constant 0 : i32
        %dma_wait3A_37 = tpu.memref_slice %arg2[%add3A_11, %dma_wait3A_36] : memref<640x128xi32, #tpu.memory_space<hbm>> -> memref<1x128xi32, #tpu.memory_space<hbm>>
        %dma_wait3A_38 = tpu.memref_squeeze %dma_wait3A_37 : memref<1x128xi32, #tpu.memory_space<hbm>> -> memref<128xi32, #tpu.memory_space<hbm>>
        %dma_wait3A_39 = arith.constant 0 : i32
        %dma_wait3A_40 = tpu.memref_slice %arg2[%add3A_11, %dma_wait3A_39] : memref<640x128xi32, #tpu.memory_space<hbm>> -> memref<1x128xi32, #tpu.memory_space<hbm>>
        %dma_wait3A_41 = tpu.memref_squeeze %dma_wait3A_40 : memref<1x128xi32, #tpu.memory_space<hbm>> -> memref<128xi32, #tpu.memory_space<hbm>>
        tpu.wait_dma2 semaphore(%run_scoped3A : memref<!tpu.dma_semaphore, #tpu.memory_space<semaphore_mem>>) src(%dma_wait3A_41 : memref<128xi32, #tpu.memory_space<hbm>>) dst(%arg8 : memref<128xi32, #tpu.memory_space<vmem>>)
        tpu.yield
      }) : () -> ()
      "tpu.region"() ({
        %run_scoped3A = tpu.sem_alloc : memref<!tpu.dma_semaphore, #tpu.memory_space<semaphore_mem>>
        %dma_start3A_30 = arith.constant 0 : i32
        %dma_start3A_31 = tpu.memref_slice %arg3[%add3A_11, %dma_start3A_30] : memref<640x128xi32, #tpu.memory_space<hbm>> -> memref<1x128xi32, #tpu.memory_space<hbm>>
        %dma_start3A_32 = tpu.memref_squeeze %dma_start3A_31 : memref<1x128xi32, #tpu.memory_space<hbm>> -> memref<128xi32, #tpu.memory_space<hbm>>
        %dma_start3A_33 = arith.constant 0 : i32
        %dma_start3A_34 = tpu.memref_slice %arg3[%add3A_11, %dma_start3A_33] : memref<640x128xi32, #tpu.memory_space<hbm>> -> memref<1x128xi32, #tpu.memory_space<hbm>>
        %dma_start3A_35 = tpu.memref_squeeze %dma_start3A_34 : memref<1x128xi32, #tpu.memory_space<hbm>> -> memref<128xi32, #tpu.memory_space<hbm>>
        tpu.enqueue_dma source(%dma_start3A_35 : memref<128xi32, #tpu.memory_space<hbm>>) target(%arg9 : memref<128xi32, #tpu.memory_space<vmem>>) target_semaphore(%run_scoped3A : memref<!tpu.dma_semaphore, #tpu.memory_space<semaphore_mem>>)
        %dma_wait3A_36 = arith.constant 0 : i32
        %dma_wait3A_37 = tpu.memref_slice %arg3[%add3A_11, %dma_wait3A_36] : memref<640x128xi32, #tpu.memory_space<hbm>> -> memref<1x128xi32, #tpu.memory_space<hbm>>
        %dma_wait3A_38 = tpu.memref_squeeze %dma_wait3A_37 : memref<1x128xi32, #tpu.memory_space<hbm>> -> memref<128xi32, #tpu.memory_space<hbm>>
        %dma_wait3A_39 = arith.constant 0 : i32
        %dma_wait3A_40 = tpu.memref_slice %arg3[%add3A_11, %dma_wait3A_39] : memref<640x128xi32, #tpu.memory_space<hbm>> -> memref<1x128xi32, #tpu.memory_space<hbm>>
        %dma_wait3A_41 = tpu.memref_squeeze %dma_wait3A_40 : memref<1x128xi32, #tpu.memory_space<hbm>> -> memref<128xi32, #tpu.memory_space<hbm>>
        tpu.wait_dma2 semaphore(%run_scoped3A : memref<!tpu.dma_semaphore, #tpu.memory_space<semaphore_mem>>) src(%dma_wait3A_41 : memref<128xi32, #tpu.memory_space<hbm>>) dst(%arg9 : memref<128xi32, #tpu.memory_space<vmem>>)
        tpu.yield
      }) : () -> ()
      %dma_start3A = arith.constant 0 : i32
      %dma_start3A_12 = arith.constant 0 : i32
      %dma_start3A_13 = tpu.memref_slice %arg4[%dma_start3A, %dma_start3A_12] : memref<114688x128xf32, #tpu.memory_space<hbm>> -> memref<114688x128xf32, #tpu.memory_space<hbm>>
      tpu.enqueue_indirect_dma source(%dma_start3A_13 : memref<114688x128xf32, #tpu.memory_space<hbm>>) target(%arg10 : memref<128x128xf32, #tpu.memory_space<vmem>>) offsets(%arg8 : memref<128xi32, #tpu.memory_space<vmem>>) semaphore(%arg14 : memref<!tpu.dma_semaphore, #tpu.memory_space<semaphore_mem>>)
      %dma_start3A_14 = arith.constant 0 : i32
      %dma_start3A_15 = arith.constant 0 : i32
      %dma_start3A_16 = tpu.memref_slice %arg5[%dma_start3A_14, %dma_start3A_15] : memref<114688x128xf32, #tpu.memory_space<hbm>> -> memref<114688x128xf32, #tpu.memory_space<hbm>>
      tpu.enqueue_indirect_dma source(%dma_start3A_16 : memref<114688x128xf32, #tpu.memory_space<hbm>>) target(%arg11 : memref<128x128xf32, #tpu.memory_space<vmem>>) offsets(%arg9 : memref<128xi32, #tpu.memory_space<vmem>>) semaphore(%arg15 : memref<!tpu.dma_semaphore, #tpu.memory_space<semaphore_mem>>)
      %dma_wait3A = arith.constant 0 : i32
      %dma_wait3A_17 = arith.constant 0 : i32
      %dma_wait3A_18 = tpu.memref_slice %arg4[%dma_wait3A, %dma_wait3A_17] : memref<114688x128xf32, #tpu.memory_space<hbm>> -> memref<114688x128xf32, #tpu.memory_space<hbm>>
      tpu.wait_indirect_dma semaphore(%arg14 : memref<!tpu.dma_semaphore, #tpu.memory_space<semaphore_mem>>) src(%dma_wait3A_18 : memref<114688x128xf32, #tpu.memory_space<hbm>>) dst(%arg10 : memref<128x128xf32, #tpu.memory_space<vmem>>)
      %dma_wait3A_19 = arith.constant 0 : i32
      %dma_wait3A_20 = arith.constant 0 : i32
      %dma_wait3A_21 = tpu.memref_slice %arg5[%dma_wait3A_19, %dma_wait3A_20] : memref<114688x128xf32, #tpu.memory_space<hbm>> -> memref<114688x128xf32, #tpu.memory_space<hbm>>
      tpu.wait_indirect_dma semaphore(%arg15 : memref<!tpu.dma_semaphore, #tpu.memory_space<semaphore_mem>>) src(%dma_wait3A_21 : memref<114688x128xf32, #tpu.memory_space<hbm>>) dst(%arg11 : memref<128x128xf32, #tpu.memory_space<vmem>>)
      %scan3A_22 = arith.constant 0 : i32
      %scan3A_23 = arith.constant 0 : i32
      %scan3A_24 = arith.constant 128 : i32
      %scan3A_25 = arith.addi %scan3A_23, %scan3A_24 : i32
      %scan3A_26 = arith.constant 2 : i32
      scf.for %scan3A_30 = %scan3A_23 to %scan3A_25 step %scan3A_26  : i32 {
        %get3A_31 = arith.index_cast %scan3A_30 : i32 to index
        %get3A_32 = arith.constant 0 : index
        %get3A_33 = tpu.vector_load %arg10[%get3A_31, %get3A_32] {strides = array<i32>} : memref<128x128xf32, #tpu.memory_space<vmem>>, vector<1x16xf32>,
        %get3A_34 = vector.shape_cast %get3A_33 : vector<1x16xf32> to vector<16xf32>
        %get3A_35 = arith.index_cast %scan3A_30 : i32 to index
        %get3A_36 = arith.constant 0 : index
        %get3A_37 = tpu.vector_load %arg11[%get3A_35, %get3A_36] {strides = array<i32>} : memref<128x128xf32, #tpu.memory_space<vmem>>, vector<1x16xf32>,
        %get3A_38 = vector.shape_cast %get3A_37 : vector<1x16xf32> to vector<16xf32>
        %add3A_39 = arith.addf %get3A_34, %get3A_38 : vector<16xf32>
        %mul3A_40 = arith.mulf %get3A_2, %add3A_39 : vector<16xf32>
        %swap3A = arith.index_cast %scan3A_30 : i32 to index
        %swap3A_41 = arith.constant 0 : index
        %swap3A_42 = tpu.vector_load %arg12[%swap3A, %swap3A_41] {strides = array<i32>} : memref<128x128xf32, #tpu.memory_space<vmem>>, vector<1x16xf32>,
        %swap3A_43 = vector.shape_cast %swap3A_42 : vector<1x16xf32> to vector<16xf32>
        %swap3A_44 = vector.shape_cast %mul3A_40 : vector<16xf32> to vector<1x16xf32>
        tpu.vector_store %arg12[%swap3A, %swap3A_41], %swap3A_44 {strides = array<i32>} : memref<128x128xf32, #tpu.memory_space<vmem>>, vector<1x16xf32>,
        %get3A_45 = arith.index_cast %scan3A_30 : i32 to index
        %get3A_46 = arith.constant 16 : index
        %get3A_47 = tpu.vector_load %arg10[%get3A_45, %get3A_46] {strides = array<i32>} : memref<128x128xf32, #tpu.memory_space<vmem>>, vector<1x16xf32>,
        %get3A_48 = vector.shape_cast %get3A_47 : vector<1x16xf32> to vector<16xf32>
        %get3A_49 = arith.index_cast %scan3A_30 : i32 to index
        %get3A_50 = arith.constant 16 : index
        %get3A_51 = tpu.vector_load %arg11[%get3A_49, %get3A_50] {strides = array<i32>} : memref<128x128xf32, #tpu.memory_space<vmem>>, vector<1x16xf32>,
        %get3A_52 = vector.shape_cast %get3A_51 : vector<1x16xf32> to vector<16xf32>
        %add3A_53 = arith.addf %get3A_48, %get3A_52 : vector<16xf32>
        %mul3A_54 = arith.mulf %get3A_2, %add3A_53 : vector<16xf32>
        %swap3A_55 = arith.index_cast %scan3A_30 : i32 to index
        %swap3A_56 = arith.constant 16 : index
        %swap3A_57 = tpu.vector_load %arg12[%swap3A_55, %swap3A_56] {strides = array<i32>} : memref<128x128xf32, #tpu.memory_space<vmem>>, vector<1x16xf32>,
        %swap3A_58 = vector.shape_cast %swap3A_57 : vector<1x16xf32> to vector<16xf32>
        %swap3A_59 = vector.shape_cast %mul3A_54 : vector<16xf32> to vector<1x16xf32>
        tpu.vector_store %arg12[%swap3A_55, %swap3A_56], %swap3A_59 {strides = array<i32>} : memref<128x128xf32, #tpu.memory_space<vmem>>, vector<1x16xf32>,
        %get3A_60 = arith.index_cast %scan3A_30 : i32 to index
        %get3A_61 = arith.constant 32 : index
        %get3A_62 = tpu.vector_load %arg10[%get3A_60, %get3A_61] {strides = array<i32>} : memref<128x128xf32, #tpu.memory_space<vmem>>, vector<1x16xf32>,
        %get3A_63 = vector.shape_cast %get3A_62 : vector<1x16xf32> to vector<16xf32>
        %get3A_64 = arith.index_cast %scan3A_30 : i32 to index
        %get3A_65 = arith.constant 32 : index
        %get3A_66 = tpu.vector_load %arg11[%get3A_64, %get3A_65] {strides = array<i32>} : memref<128x128xf32, #tpu.memory_space<vmem>>, vector<1x16xf32>,
        %get3A_67 = vector.shape_cast %get3A_66 : vector<1x16xf32> to vector<16xf32>
        %add3A_68 = arith.addf %get3A_63, %get3A_67 : vector<16xf32>
        %mul3A_69 = arith.mulf %get3A_2, %add3A_68 : vector<16xf32>
        %swap3A_70 = arith.index_cast %scan3A_30 : i32 to index
        %swap3A_71 = arith.constant 32 : index
        %swap3A_72 = tpu.vector_load %arg12[%swap3A_70, %swap3A_71] {strides = array<i32>} : memref<128x128xf32, #tpu.memory_space<vmem>>, vector<1x16xf32>,
        %swap3A_73 = vector.shape_cast %swap3A_72 : vector<1x16xf32> to vector<16xf32>
        %swap3A_74 = vector.shape_cast %mul3A_69 : vector<16xf32> to vector<1x16xf32>
        tpu.vector_store %arg12[%swap3A_70, %swap3A_71], %swap3A_74 {strides = array<i32>} : memref<128x128xf32, #tpu.memory_space<vmem>>, vector<1x16xf32>,
        %get3A_75 = arith.index_cast %scan3A_30 : i32 to index
        %get3A_76 = arith.constant 34 : index
        %get3A_77 = tpu.vector_load %arg10[%get3A_75, %get3A_76] {strides = array<i32>} : memref<128x128xf32, #tpu.memory_space<vmem>>, vector<1x16xf32>,
        %get3A_78 = vector.shape_cast %get3A_77 : vector<1x16xf32> to vector<16xf32>
        %get3A_79 = arith.index_cast %scan3A_30 : i32 to index
        %get3A_80 = arith.constant 34 : index
        %get3A_81 = tpu.vector_load %arg11[%get3A_79, %get3A_80] {strides = array<i32>} : memref<128x128xf32, #tpu.memory_space<vmem>>, vector<1x16xf32>,
        %get3A_82 = vector.shape_cast %get3A_81 : vector<1x16xf32> to vector<16xf32>
        %add3A_83 = arith.addf %get3A_78, %get3A_82 : vector<16xf32>
        %mul3A_84 = arith.mulf %get3A_2, %add3A_83 : vector<16xf32>
        %swap3A_85 = arith.index_cast %scan3A_30 : i32 to index
        %swap3A_86 = arith.constant 34 : index
        %swap3A_87 = tpu.vector_load %arg12[%swap3A_85, %swap3A_86] {strides = array<i32>} : memref<128x128xf32, #tpu.memory_space<vmem>>, vector<1x16xf32>,
        %swap3A_88 = vector.shape_cast %swap3A_87 : vector<1x16xf32> to vector<16xf32>
        %swap3A_89 = vector.shape_cast %mul3A_84 : vector<16xf32> to vector<1x16xf32>
        tpu.vector_store %arg12[%swap3A_85, %swap3A_86], %swap3A_89 {strides = array<i32>} : memref<128x128xf32, #tpu.memory_space<vmem>>, vector<1x16xf32>,
        %scan3A_90 = arith.constant 1 : i32
        %scan3A_91 = arith.addi %scan3A_30, %scan3A_90 : i32
        %get3A_92 = arith.index_cast %scan3A_91 : i32 to index
        %get3A_93 = arith.constant 0 : index
        %get3A_94 = tpu.vector_load %arg10[%get3A_92, %get3A_93] {strides = array<i32>} : memref<128x128xf32, #tpu.memory_space<vmem>>, vector<1x16xf32>,
        %get3A_95 = vector.shape_cast %get3A_94 : vector<1x16xf32> to vector<16xf32>
        %get3A_96 = arith.index_cast %scan3A_91 : i32 to index
        %get3A_97 = arith.constant 0 : index
        %get3A_98 = tpu.vector_load %arg11[%get3A_96, %get3A_97] {strides = array<i32>} : memref<128x128xf32, #tpu.memory_space<vmem>>, vector<1x16xf32>,
        %get3A_99 = vector.shape_cast %get3A_98 : vector<1x16xf32> to vector<16xf32>
        %add3A_100 = arith.addf %get3A_95, %get3A_99 : vector<16xf32>
        %mul3A_101 = arith.mulf %get3A_2, %add3A_100 : vector<16xf32>
        %swap3A_102 = arith.index_cast %scan3A_91 : i32 to index
        %swap3A_103 = arith.constant 0 : index
        %swap3A_104 = tpu.vector_load %arg12[%swap3A_102, %swap3A_103] {strides = array<i32>} : memref<128x128xf32, #tpu.memory_space<vmem>>, vector<1x16xf32>,
        %swap3A_105 = vector.shape_cast %swap3A_104 : vector<1x16xf32> to vector<16xf32>
        %swap3A_106 = vector.shape_cast %mul3A_101 : vector<16xf32> to vector<1x16xf32>
        tpu.vector_store %arg12[%swap3A_102, %swap3A_103], %swap3A_106 {strides = array<i32>} : memref<128x128xf32, #tpu.memory_space<vmem>>, vector<1x16xf32>,
        %get3A_107 = arith.index_cast %scan3A_91 : i32 to index
        %get3A_108 = arith.constant 16 : index
        %get3A_109 = tpu.vector_load %arg10[%get3A_107, %get3A_108] {strides = array<i32>} : memref<128x128xf32, #tpu.memory_space<vmem>>, vector<1x16xf32>,
        %get3A_110 = vector.shape_cast %get3A_109 : vector<1x16xf32> to vector<16xf32>
        %get3A_111 = arith.index_cast %scan3A_91 : i32 to index
        %get3A_112 = arith.constant 16 : index
        %get3A_113 = tpu.vector_load %arg11[%get3A_111, %get3A_112] {strides = array<i32>} : memref<128x128xf32, #tpu.memory_space<vmem>>, vector<1x16xf32>,
        %get3A_114 = vector.shape_cast %get3A_113 : vector<1x16xf32> to vector<16xf32>
        %add3A_115 = arith.addf %get3A_110, %get3A_114 : vector<16xf32>
        %mul3A_116 = arith.mulf %get3A_2, %add3A_115 : vector<16xf32>
        %swap3A_117 = arith.index_cast %scan3A_91 : i32 to index
        %swap3A_118 = arith.constant 16 : index
        %swap3A_119 = tpu.vector_load %arg12[%swap3A_117, %swap3A_118] {strides = array<i32>} : memref<128x128xf32, #tpu.memory_space<vmem>>, vector<1x16xf32>,
        %swap3A_120 = vector.shape_cast %swap3A_119 : vector<1x16xf32> to vector<16xf32>
        %swap3A_121 = vector.shape_cast %mul3A_116 : vector<16xf32> to vector<1x16xf32>
        tpu.vector_store %arg12[%swap3A_117, %swap3A_118], %swap3A_121 {strides = array<i32>} : memref<128x128xf32, #tpu.memory_space<vmem>>, vector<1x16xf32>,
        %get3A_122 = arith.index_cast %scan3A_91 : i32 to index
        %get3A_123 = arith.constant 32 : index
        %get3A_124 = tpu.vector_load %arg10[%get3A_122, %get3A_123] {strides = array<i32>} : memref<128x128xf32, #tpu.memory_space<vmem>>, vector<1x16xf32>,
        %get3A_125 = vector.shape_cast %get3A_124 : vector<1x16xf32> to vector<16xf32>
        %get3A_126 = arith.index_cast %scan3A_91 : i32 to index
        %get3A_127 = arith.constant 32 : index
        %get3A_128 = tpu.vector_load %arg11[%get3A_126, %get3A_127] {strides = array<i32>} : memref<128x128xf32, #tpu.memory_space<vmem>>, vector<1x16xf32>,
        %get3A_129 = vector.shape_cast %get3A_128 : vector<1x16xf32> to vector<16xf32>
        %add3A_130 = arith.addf %get3A_125, %get3A_129 : vector<16xf32>
        %mul3A_131 = arith.mulf %get3A_2, %add3A_130 : vector<16xf32>
        %swap3A_132 = arith.index_cast %scan3A_91 : i32 to index
        %swap3A_133 = arith.constant 32 : index
        %swap3A_134 = tpu.vector_load %arg12[%swap3A_132, %swap3A_133] {strides = array<i32>} : memref<128x128xf32, #tpu.memory_space<vmem>>, vector<1x16xf32>,
        %swap3A_135 = vector.shape_cast %swap3A_134 : vector<1x16xf32> to vector<16xf32>
        %swap3A_136 = vector.shape_cast %mul3A_131 : vector<16xf32> to vector<1x16xf32>
        tpu.vector_store %arg12[%swap3A_132, %swap3A_133], %swap3A_136 {strides = array<i32>} : memref<128x128xf32, #tpu.memory_space<vmem>>, vector<1x16xf32>,
        %get3A_137 = arith.index_cast %scan3A_91 : i32 to index
        %get3A_138 = arith.constant 34 : index
        %get3A_139 = tpu.vector_load %arg10[%get3A_137, %get3A_138] {strides = array<i32>} : memref<128x128xf32, #tpu.memory_space<vmem>>, vector<1x16xf32>,
        %get3A_140 = vector.shape_cast %get3A_139 : vector<1x16xf32> to vector<16xf32>
        %get3A_141 = arith.index_cast %scan3A_91 : i32 to index
        %get3A_142 = arith.constant 34 : index
        %get3A_143 = tpu.vector_load %arg11[%get3A_141, %get3A_142] {strides = array<i32>} : memref<128x128xf32, #tpu.memory_space<vmem>>, vector<1x16xf32>,
        %get3A_144 = vector.shape_cast %get3A_143 : vector<1x16xf32> to vector<16xf32>
        %add3A_145 = arith.addf %get3A_140, %get3A_144 : vector<16xf32>
        %mul3A_146 = arith.mulf %get3A_2, %add3A_145 : vector<16xf32>
        %swap3A_147 = arith.index_cast %scan3A_91 : i32 to index
        %swap3A_148 = arith.constant 34 : index
        %swap3A_149 = tpu.vector_load %arg12[%swap3A_147, %swap3A_148] {strides = array<i32>} : memref<128x128xf32, #tpu.memory_space<vmem>>, vector<1x16xf32>,
        %swap3A_150 = vector.shape_cast %swap3A_149 : vector<1x16xf32> to vector<16xf32>
        %swap3A_151 = vector.shape_cast %mul3A_146 : vector<16xf32> to vector<1x16xf32>
        tpu.vector_store %arg12[%swap3A_147, %swap3A_148], %swap3A_151 {strides = array<i32>} : memref<128x128xf32, #tpu.memory_space<vmem>>, vector<1x16xf32>,
      }
      %scan3A_27 = arith.constant 128 : i32
      %mul3A_28 = arith.constant 128 : i32
      %mul3A_29 = arith.muli %add3A_11, %mul3A_28 : i32
      "tpu.region"() ({
        %run_scoped3A = tpu.sem_alloc : memref<!tpu.dma_semaphore, #tpu.memory_space<semaphore_mem>>
        %dma_start3A_30 = arith.constant 0 : i32
        %dma_start3A_31 = tpu.memref_slice %arg7[%mul3A_29, %dma_start3A_30] : memref<81920x128xf32, #tpu.memory_space<hbm>> -> memref<128x128xf32, #tpu.memory_space<hbm>>
        %dma_start3A_32 = arith.constant 0 : i32
        %dma_start3A_33 = tpu.memref_slice %arg7[%mul3A_29, %dma_start3A_32] : memref<81920x128xf32, #tpu.memory_space<hbm>> -> memref<128x128xf32, #tpu.memory_space<hbm>>
        tpu.enqueue_dma source(%arg12 : memref<128x128xf32, #tpu.memory_space<vmem>>) target(%dma_start3A_33 : memref<128x128xf32, #tpu.memory_space<hbm>>) target_semaphore(%run_scoped3A : memref<!tpu.dma_semaphore, #tpu.memory_space<semaphore_mem>>)
        %dma_wait3A_34 = arith.constant 0 : i32
        %dma_wait3A_35 = tpu.memref_slice %arg7[%mul3A_29, %dma_wait3A_34] : memref<81920x128xf32, #tpu.memory_space<hbm>> -> memref<128x128xf32, #tpu.memory_space<hbm>>
        %dma_wait3A_36 = arith.constant 0 : i32
        %dma_wait3A_37 = tpu.memref_slice %arg7[%mul3A_29, %dma_wait3A_36] : memref<81920x128xf32, #tpu.memory_space<hbm>> -> memref<128x128xf32, #tpu.memory_space<hbm>>
        tpu.wait_dma2 semaphore(%run_scoped3A : memref<!tpu.dma_semaphore, #tpu.memory_space<semaphore_mem>>) src(%arg12 : memref<128x128xf32, #tpu.memory_space<vmem>>) dst(%dma_wait3A_37 : memref<128x128xf32, #tpu.memory_space<hbm>>)
        tpu.yield
      }) : () -> ()
    }
    %scan3A_7 = arith.constant 20 : i32
    return
  }
}

module attributes {stable_mosaic.version = 14 : i64} {
  func.func @_transpose_pad_body(%arg0: i32, %arg1: memref<50x16384xf32, #tpu.memory_space<vmem>>, %arg2: memref<16384x128xf32, #tpu.memory_space<vmem>>) attributes {dimension_semantics = [#tpu.dimension_semantics<arbitrary>], iteration_bounds = array<i64: 7>, scalar_prefetch = 0 : i64, scratch_operands = 0 : i64, tpu.core_type = #tpu.core_type<tc>, window_params = [{transform_indices = @transform_0, window_bounds = array<i64: 50, 16384>}, {transform_indices = @transform_1, window_bounds = array<i64: 16384, 128>}]} {
    %get3A = arith.constant 0 : index
    %get3A_0 = arith.constant 0 : index
    %get3A_1 = vector.load %arg1[%get3A, %get3A_0] : memref<50x16384xf32, #tpu.memory_space<vmem>>, vector<50x16384xf32>
    %transpose3A = tpu.transpose %get3A_1, [1, 0] : vector<50x16384xf32> -> vector<16384x50xf32>
    %jit3A = arith.constant 0 : i32
    %convert_element_type3A = arith.sitofp %jit3A : i32 to f32
    %pad3A = vector.broadcast %convert_element_type3A : f32 to vector<16384x78xf32>
    %pad3A_2 = tpu.concatenate %transpose3A, %pad3A in 1 : vector<16384x50xf32>, vector<16384x78xf32> -> vector<16384x128xf32>
    %swap3A = arith.constant 0 : index
    %swap3A_3 = arith.constant 0 : index
    %swap3A_4 = vector.load %arg2[%swap3A, %swap3A_3] : memref<16384x128xf32, #tpu.memory_space<vmem>>, vector<16384x128xf32>
    tpu.vector_store %arg2[%swap3A, %swap3A_3], %pad3A_2 {strides = array<i32>} : memref<16384x128xf32, #tpu.memory_space<vmem>>, vector<16384x128xf32>,
    return
  }
  func.func @transform_0(%arg0: i32) -> (i32, i32) {
    %c0_i32 = arith.constant 0 : i32
    %c0_i32_0 = arith.constant 0 : i32
    return %c0_i32, %arg0 : i32, i32
  }
  func.func @transform_1(%arg0: i32) -> (i32, i32) {
    %c0_i32 = arith.constant 0 : i32
    %c0_i32_0 = arith.constant 0 : i32
    return %arg0, %c0_i32 : i32, i32
  }
}

module attributes {stable_mosaic.version = 14 : i64} {
  func.func @_transpose_pad_body(%arg0: i32, %arg1: memref<50x16384xf32, #tpu.memory_space<vmem>>, %arg2: memref<16384x128xf32, #tpu.memory_space<vmem>>) attributes {dimension_semantics = [#tpu.dimension_semantics<arbitrary>], iteration_bounds = array<i64: 62>, scalar_prefetch = 0 : i64, scratch_operands = 0 : i64, tpu.core_type = #tpu.core_type<tc>, window_params = [{transform_indices = @transform_0, window_bounds = array<i64: 50, 16384>}, {transform_indices = @transform_1, window_bounds = array<i64: 16384, 128>}]} {
    %get3A = arith.constant 0 : index
    %get3A_0 = arith.constant 0 : index
    %get3A_1 = vector.load %arg1[%get3A, %get3A_0] : memref<50x16384xf32, #tpu.memory_space<vmem>>, vector<50x16384xf32>
    %transpose3A = tpu.transpose %get3A_1, [1, 0] : vector<50x16384xf32> -> vector<16384x50xf32>
    %jit3A = arith.constant 0 : i32
    %convert_element_type3A = arith.sitofp %jit3A : i32 to f32
    %pad3A = vector.broadcast %convert_element_type3A : f32 to vector<16384x78xf32>
    %pad3A_2 = tpu.concatenate %transpose3A, %pad3A in 1 : vector<16384x50xf32>, vector<16384x78xf32> -> vector<16384x128xf32>
    %swap3A = arith.constant 0 : index
    %swap3A_3 = arith.constant 0 : index
    %swap3A_4 = vector.load %arg2[%swap3A, %swap3A_3] : memref<16384x128xf32, #tpu.memory_space<vmem>>, vector<16384x128xf32>
    tpu.vector_store %arg2[%swap3A, %swap3A_3], %pad3A_2 {strides = array<i32>} : memref<16384x128xf32, #tpu.memory_space<vmem>>, vector<16384x128xf32>,
    return
  }
  func.func @transform_0(%arg0: i32) -> (i32, i32) {
    %c0_i32 = arith.constant 0 : i32
    %c0_i32_0 = arith.constant 0 : i32
    return %c0_i32, %arg0 : i32, i32
  }
  func.func @transform_1(%arg0: i32) -> (i32, i32) {
    %c0_i32 = arith.constant 0 : i32
    %c0_i32_0 = arith.constant 0 : i32
    return %arg0, %c0_i32 : i32, i32
  }
}

module attributes {stable_mosaic.version = 14 : i64} {
  func.func @_mlp_body(%arg0: i32, %arg1: memref<2048x250xf32, #tpu.memory_space<vmem>>, %arg2: memref<250x128xf32, #tpu.memory_space<vmem>>, %arg3: memref<1x128xf32, #tpu.memory_space<vmem>>, %arg4: memref<128x50xf32, #tpu.memory_space<vmem>>, %arg5: memref<1x50xf32, #tpu.memory_space<vmem>>, %arg6: memref<2048x50xf32, #tpu.memory_space<vmem>>) attributes {dimension_semantics = [#tpu.dimension_semantics<arbitrary>], iteration_bounds = array<i64: 8>, scalar_prefetch = 0 : i64, scratch_operands = 0 : i64, tpu.core_type = #tpu.core_type<tc>, window_params = [{transform_indices = @transform_0, window_bounds = array<i64: 2048, 250>}, {pipeline_mode = #tpu.pipeline_mode<synchronous>, transform_indices = @transform_1, window_bounds = array<i64: 250, 128>}, {pipeline_mode = #tpu.pipeline_mode<synchronous>, transform_indices = @transform_2, window_bounds = array<i64: 1, 128>}, {pipeline_mode = #tpu.pipeline_mode<synchronous>, transform_indices = @transform_3, window_bounds = array<i64: 128, 50>}, {pipeline_mode = #tpu.pipeline_mode<synchronous>, transform_indices = @transform_4, window_bounds = array<i64: 1, 50>}, {transform_indices = @transform_5, window_bounds = array<i64: 2048, 50>}]} {
    %get3A = arith.constant 0 : index
    %get3A_0 = arith.constant 0 : index
    %get3A_1 = vector.load %arg1[%get3A, %get3A_0] : memref<2048x250xf32, #tpu.memory_space<vmem>>, vector<2048x250xf32>
    %get3A_2 = arith.constant 0 : index
    %get3A_3 = arith.constant 0 : index
    %get3A_4 = vector.load %arg2[%get3A_2, %get3A_3] : memref<250x128xf32, #tpu.memory_space<vmem>>, vector<250x128xf32>
    %dot_general3A = arith.constant dense<0.000000e+00> : vector<2048x128xf32>
    %dot_general3A_5 = tpu.matmul %get3A_1, %get3A_4, %dot_general3A {dimension_numbers = #tpu.dot_dimension_numbers<[1], [0], [0], [1], [0, 0, 1, 1], [], []>, transpose_lhs_hint = false} : vector<2048x250xf32>, vector<250x128xf32>, vector<2048x128xf32> -> vector<2048x128xf32>
    %get3A_6 = arith.constant 0 : index
    %get3A_7 = arith.constant 0 : index
    %get3A_8 = vector.load %arg3[%get3A_6, %get3A_7] : memref<1x128xf32, #tpu.memory_space<vmem>>, vector<1x128xf32>
    %add3A = vector.broadcast %get3A_8 : vector<1x128xf32> to vector<2048x128xf32>
    %add3A_9 = arith.addf %dot_general3A_5, %add3A : vector<2048x128xf32>
    %max3A = arith.constant 0.000000e+00 : f32
    %max3A_10 = vector.broadcast %max3A : f32 to vector<2048x128xf32>
    %max3A_11 = arith.maximumf %add3A_9, %max3A_10 : vector<2048x128xf32>
    %get3A_12 = arith.constant 0 : index
    %get3A_13 = arith.constant 0 : index
    %get3A_14 = vector.load %arg4[%get3A_12, %get3A_13] : memref<128x50xf32, #tpu.memory_space<vmem>>, vector<128x50xf32>
    %dot_general3A_15 = arith.constant dense<0.000000e+00> : vector<2048x50xf32>
    %dot_general3A_16 = tpu.matmul %max3A_11, %get3A_14, %dot_general3A_15 {dimension_numbers = #tpu.dot_dimension_numbers<[1], [0], [0], [1], [0, 0, 1, 1], [], []>, transpose_lhs_hint = false} : vector<2048x128xf32>, vector<128x50xf32>, vector<2048x50xf32> -> vector<2048x50xf32>
    %get3A_17 = arith.constant 0 : index
    %get3A_18 = arith.constant 0 : index
    %get3A_19 = vector.load %arg5[%get3A_17, %get3A_18] : memref<1x50xf32, #tpu.memory_space<vmem>>, vector<1x50xf32>
    %add3A_20 = vector.broadcast %get3A_19 : vector<1x50xf32> to vector<2048x50xf32>
    %add3A_21 = arith.addf %dot_general3A_16, %add3A_20 : vector<2048x50xf32>
    %reduce_max3A = arith.constant dense<0xFF800000> : vector<2048xf32>
    %reduce_max3A_22 = vector.multi_reduction <maximumf>, %add3A_21, %reduce_max3A [1] : vector<2048x50xf32> to vector<2048xf32>
    %broadcast_in_dim3A = vector.shape_cast %reduce_max3A_22 : vector<2048xf32> to vector<2048x1xf32>
    %sub3A = vector.broadcast %broadcast_in_dim3A : vector<2048x1xf32> to vector<2048x50xf32>
    %sub3A_23 = arith.subf %add3A_21, %sub3A : vector<2048x50xf32>
    %exp3A = math.exp %sub3A_23 : vector<2048x50xf32>
    %reduce_sum3A = arith.constant dense<0.000000e+00> : vector<2048xf32>
    %reduce_sum3A_24 = vector.multi_reduction <add>, %exp3A, %reduce_sum3A [1] : vector<2048x50xf32> to vector<2048xf32>
    %broadcast_in_dim3A_25 = vector.shape_cast %reduce_sum3A_24 : vector<2048xf32> to vector<2048x1xf32>
    %log3A = math.log %broadcast_in_dim3A_25 : vector<2048x1xf32>
    %add3A_26 = arith.addf %log3A, %broadcast_in_dim3A : vector<2048x1xf32>
    %sub3A_27 = vector.broadcast %add3A_26 : vector<2048x1xf32> to vector<2048x50xf32>
    %sub3A_28 = arith.subf %add3A_21, %sub3A_27 : vector<2048x50xf32>
    %swap3A = arith.constant 0 : index
    %swap3A_29 = arith.constant 0 : index
    %swap3A_30 = vector.load %arg6[%swap3A, %swap3A_29] : memref<2048x50xf32, #tpu.memory_space<vmem>>, vector<2048x50xf32>
    tpu.vector_store %arg6[%swap3A, %swap3A_29], %sub3A_28 {strides = array<i32>} : memref<2048x50xf32, #tpu.memory_space<vmem>>, vector<2048x50xf32>,
    return
  }
  func.func @transform_0(%arg0: i32) -> (i32, i32) {
    %c0_i32 = arith.constant 0 : i32
    %c0_i32_0 = arith.constant 0 : i32
    return %arg0, %c0_i32 : i32, i32
  }
  func.func @transform_1(%arg0: i32) -> (i32, i32) {
    %c0_i32 = arith.constant 0 : i32
    %c0_i32_0 = arith.constant 0 : i32
    %c0_i32_1 = arith.constant 0 : i32
    return %c0_i32, %c0_i32_0 : i32, i32
  }
  func.func @transform_2(%arg0: i32) -> (i32, i32) {
    %c0_i32 = arith.constant 0 : i32
    %c0_i32_0 = arith.constant 0 : i32
    %c0_i32_1 = arith.constant 0 : i32
    return %c0_i32, %c0_i32_0 : i32, i32
  }
  func.func @transform_3(%arg0: i32) -> (i32, i32) {
    %c0_i32 = arith.constant 0 : i32
    %c0_i32_0 = arith.constant 0 : i32
    %c0_i32_1 = arith.constant 0 : i32
    return %c0_i32, %c0_i32_0 : i32, i32
  }
  func.func @transform_4(%arg0: i32) -> (i32, i32) {
    %c0_i32 = arith.constant 0 : i32
    %c0_i32_0 = arith.constant 0 : i32
    %c0_i32_1 = arith.constant 0 : i32
    return %c0_i32, %c0_i32_0 : i32, i32
  }
  func.func @transform_5(%arg0: i32) -> (i32, i32) {
    %c0_i32 = arith.constant 0 : i32
    %c0_i32_0 = arith.constant 0 : i32
    return %arg0, %c0_i32 : i32, i32
  }
}

</mosaic_0001>

<sc_bundles>
// kernel: kernel.11.cloned.1.call-start
scs
__scs_entry_jumppad:
0x0: {  	(pc) =	sbr.rel $0x88, $3  }
0x1: {  	(tag) =	ssettag $0x0;
	lr =	simm.s32 $0x1  }
0x2: {  	[smem:$0x3F96] =	sst lr;
	_ =	strace $0xD0000000  }
0x3: {  	_ = 	snop  }
0x4: {  	_ = 	snop  }
0x5: {  	_ = 	snop  }
0x6: {  	_ = 	snop  }
0x7: {  	_ = 	snop  }
__scs_overlays_trampoline_lowered:
0x8: {  	[smem:$0x3FA5] =	sst s0  }
0x9: {  	[smem:$0x3FA6] =	sst s1  }
0xa: {  	[smem:$0x3FA7] =	sst s2  }
0xb: {  	[smem:$0x3FA8] =	sst s3  }
0xc: {  	[smem:$0x3FA9] =	sst s4  }
0xd: {  	[smem:$0x3FAA] =	sst s5  }
0xe: {  	[smem:$0x3FAB] =	sst s6  }
0xf: {  	[smem:$0x3FAC] =	sst s7  }
0x10: {  	[smem:$0x3FAD] =	sst s8  }
0x11: {  	[smem:$0x3FAE] =	sst s9;
	s0 =	simm.s32 @!p0 $0x0  }
0x12: {  	s1 =	sld [smem:$0x3F94];
	s0 =	simm.s32 @p0 $0x1  }
0x13: {  	[smem:$0x3FAF] =	sst s0;
	s0 =	simm.s32 @!p1 $0x0  }
0x14: {  	s2 =	sld [smem:$0x3F93];
	s0 =	simm.s32 @p1 $0x1  }
0x15: {  	[smem:$0x3FB0] =	sst s0;
	s0 =	simm.s32 @!p2 $0x0  }
0x16: {  	s3 =	sld [smem:$0x3FDB];
	s0 =	simm.s32 @p2 $0x1  }
0x17: {  	s4 =	simm.s32 $0x1BF5;
	[smem:$0x3FB2] =	sst s0  }
0x18: {  	s0 =	sld [smem:$0x3F95];
	_ =	swait.ge [sflag:s4], $0x0  }
0x19: {  	s7 =	sld [smem:$0x3F96]  }
0x1a: {  	s8 =	sadd.s32 $0xFFFFE003, lr  }
0x1b: {  	s9 =	sadd.s32 $0xFFFFFEF7, lr;
	s5 =	simm.s32 $0xFFFFFFFF;
	p2 =	slt.u32 s8, $0xFFFFF086  }
0x1c: {  	p1 =	slt.u32 s9, $0xF7A;
	s5 =	simm.s32 @!p2 $0x0  }
0x1d: {  	s5 =	simm.s32 @p1 $0x1;
	p0 =	seq.s32 s7, s2  }
0x1e: {  	s7 =	smul.u32 @!p0 $0xF7A, s2;
	p2 =	seq.s32 @!p0 s5, $0x0  }
0x1f: {  	s9 =	smul.u32 $0xF7A, s1;
	s8 =	simm.s32 @!p0 $0x1BF5;
	p2 =	por !p2, p0  }
0x20: {  	[sflag:s8] =	ssyncset.s32 @!p0 $0xFFFFF086;
	s6 =	sadd.s32 @!p0 s3, s7;
	s7 =	simm.s32 @!p0 $0x108  }
0x21: {  	s3 =	sadd.s32 s3, s9;
	s6 =	sadd.s32 @!p0 $0x88, s6;
	s7 =	simm.s32 @p2 $0x1082  }
0x22: {  	[simem:s7], [sflag:s8] =	dma.local @!p0 [hbm:s6], $0xF7A  }
0x23: {  	s9 =	sor.u32 $0xD0000000, s2;
	s6 =	simm.s32 $0x108;
	_ =	swait.ge @!p0 [sflag:s8], $0x0  }
0x24: {  	s3 =	sadd.s32 $0x88, s3;
	s6 =	simm.s32 @!p1 $0x1082;
	[sflag:s4] =	ssyncset.s32 $0xFFFFF086  }
0x25: {  	[simem:s6], [sflag:s4] =	dma.local [hbm:s3], $0xF7A  }
0x26: {  	[smem:$0x3F96] =	sst s1;
	(tag) =	ssettag s2;
	_ =	strace s9  }
0x27: {  	s1 =	sld [smem:$0x3FA6]  }
0x28: {  	s2 =	sld [smem:$0x3FA7]  }
0x29: {  	s4 =	sld [smem:$0x3FA9]  }
0x2a: {  	p0 =	seq.s32 s5, $0x0;
	s5 =	sld [smem:$0x3FAA]  }
0x2b: {  	s6 =	sld [smem:$0x3FAB]  }
0x2c: {  	s7 =	sld [smem:$0x3FAC]  }
0x2d: {  	s3 =	simm.s32 $0x108;
	s8 =	sld [smem:$0x3FAD]  }
0x2e: {  	s3 =	simm.s32 @!p0 $0x1082;
	s9 =	sld [smem:$0x3FAE]  }
0x2f: {  	lr =	sadd.s32 s0, s3;
	s0 =	sld [smem:$0x3FA5]  }
0x30: {  	s3 =	sld [smem:$0x3FA8]  }
0x31: {  	[smem:$0x3FB1] =	sst s10  }
0x32: {  	s10 =	sld [smem:$0x3FAF];
	_ =	sdelay $0x3  }
0x33: {  	p0 =	seq.s32 s10, $0x1;
	s10 =	sld [smem:$0x3FB1];
	_ =	sdelay $0x3  }
0x34: {  	[smem:$0x3FB1] =	sst s10  }
0x35: {  	s10 =	sld [smem:$0x3FB0];
	_ =	sdelay $0x3  }
0x36: {  	p1 =	seq.s32 s10, $0x1;
	s10 =	sld [smem:$0x3FB1];
	_ =	sdelay $0x3  }
0x37: {  	[smem:$0x3FB1] =	sst s10  }
0x38: {  	s10 =	sld [smem:$0x3FB2]  }
0x39: {  	_ = 	snop;
	(pc) =	sbr.ind lr, $3  }
0x3a: {  	_ = 	snop  }
0x3b: {  	_ = 	snop  }
0x3c: {  	p2 =	seq.s32 s10, $0x1;
	s10 =	sld [smem:$0x3FB1]  }
0x3d: {  	_ =	shalt  }
0x3e: {  	_ =	shalt  }
0x3f: {  	_ =	shalt  }
0x40: {  	_ =	shalt  }
0x41: {  	_ =	shalt  }
0x42: {  	_ =	shalt  }
0x43: {  	_ =	shalt  }
0x44: {  	_ =	shalt  }
0x45: {  	_ =	shalt  }
0x46: {  	_ =	shalt  }
0x47: {  	_ =	shalt  }
0x48: {  	_ =	shalt  }
0x49: {  	_ =	shalt  }
0x4a: {  	_ =	shalt  }
0x4b: {  	_ =	shalt  }
0x4c: {  	_ =	shalt  }
0x4d: {  	_ =	shalt  }
0x4e: {  	_ =	shalt  }
0x4f: {  	_ =	shalt  }
0x50: {  	_ =	shalt  }
0x51: {  	_ =	shalt  }
0x52: {  	_ =	shalt  }
0x53: {  	_ =	shalt  }
0x54: {  	_ =	shalt  }
0x55: {  	_ =	shalt  }
0x56: {  	_ =	shalt  }
0x57: {  	_ =	shalt  }
0x58: {  	_ =	shalt  }
0x59: {  	_ =	shalt  }
0x5a: {  	_ =	shalt  }
0x5b: {  	_ =	shalt  }
0x5c: {  	_ =	shalt  }
0x5d: {  	_ =	shalt  }
0x5e: {  	_ =	shalt  }
0x5f: {  	_ =	shalt  }
0x60: {  	_ =	shalt  }
0x61: {  	_ =	shalt  }
0x62: {  	_ =	shalt  }
0x63: {  	_ =	shalt  }
0x64: {  	_ =	shalt  }
0x65: {  	_ =	shalt  }
0x66: {  	_ =	shalt  }
0x67: {  	_ =	shalt  }
0x68: {  	_ =	shalt  }
0x69: {  	_ =	shalt  }
0x6a: {  	_ =	shalt  }
0x6b: {  	_ =	shalt  }
0x6c: {  	_ =	shalt  }
0x6d: {  	_ =	shalt  }
0x6e: {  	_ =	shalt  }
0x6f: {  	_ =	shalt  }
0x70: {  	_ =	shalt  }
0x71: {  	_ =	shalt  }
0x72: {  	_ =	shalt  }
0x73: {  	_ =	shalt  }
0x74: {  	_ =	shalt  }
0x75: {  	_ =	shalt  }
0x76: {  	_ =	shalt  }
0x77: {  	_ =	shalt  }
0x78: {  	_ =	shalt  }
0x79: {  	_ =	shalt  }
0x7a: {  	_ =	shalt  }
0x7b: {  	_ =	shalt  }
0x7c: {  	_ =	shalt  }
0x7d: {  	_ =	shalt  }
0x7e: {  	_ =	shalt  }
0x7f: {  	_ =	shalt  }
0x80: {  	_ =	shalt  }
0x81: {  	_ =	shalt  }
0x82: {  	_ =	shalt  }
0x83: {  	_ =	shalt  }
0x84: {  	_ =	shalt  }
0x85: {  	_ =	shalt  }
0x86: {  	_ =	shalt  }
0x87: {  	_ =	shalt  }
.Lfunc_end0:
.L_simem_size_0:
called_computation.1_lowered:
.L_overlay_start_0:
0x88: {  	s2 =	sld [smem:$0x3FD9]  }
0x89: {  	s3 =	sld [smem:$0x3FFE];
	_ =	sdelay $0x1  }
0x8a: {  	s1 =	srdreg.scid  }
0x8b: {  	s0 =	sand.u32 $0x1, s1  }
0x8c: {  	s17 =	sshll.u32 s0, $0xA;
	s2 =	sadd.s32 s3, s2  }
0x8d: {  	s2 =	sadd.s32 s2, s17  }
0x8e: {  	[smem:$0x3FBD] =	sst s2  }
0x8f: {  	_ = 	snop  }
0x90: {  	s2 =	sld [smem:$0x3FD0];
	(tm) =	ssettm $0x1  }
0x91: {  	s18 =	sld [smem:$0x3FFB];
	_ =	sdelay $0x3  }
0x92: {  	_ =	strace s18  }
0x93: {  	s3 =	sld [smem:$0x3FFC];
	_ =	sdelay $0x3  }
0x94: {  	_ =	strace s3  }
0x95: {  	s3 =	sld [smem:$0x3FFD];
	_ =	sdelay $0x3  }
0x96: {  	_ =	strace s3  }
0x97: {  	_ =	strace $0x8FFFFFFF  }
0x98: {  	s19 =	sld [smem:$0x3FDB];
	_ =	sdelay $0x1  }
0x99: {  	s4 =	simm.s32 $_scs_section_size  }
0x9a: {  	s5 =	simm.s32 $_size__tile_overlayer_lowered;
	s6 =	simm.s32 $_tile_overlayer_lowered  }
0x9b: {  	s22 =	simm.s32 $0x1BFF;
	s21 =	sshll.u32 s6, $0x1;
	s3 =	sadd.s32 s4, s19  }
0x9c: {  	s7 =	simm.s32 $0x0;
	s20 =	sshll.u32 s5, $0x1;
	s5 =	sadd.s32 s21, s3  }
0x9d: {  	[timem:s7], [sflag:s22] =	dma.local [hbm:s5], s20  }
0x9e: {  	_ =	swait.ge [sflag:s22], s20  }
0x9f: {  	s4 =	ssub.s32 $0x0, s20;
	[sflag:s22] =	ssyncset.done $0x0  }
0xa0: {  	[sflag:s22] =	ssyncadd.s32 s4;
	_ =	sdelay $0x1  }
0xa1: {  	s23 =	simm.s32 $0x1B8B  }
0xa2: {  	_ =	swait.ge [sflag:s23], $0x1  }
0xa3: {  	[sflag:s23] =	ssyncset.done $0x0  }
0xa4: {  	s25 =	simm.s32 $0x1B8E;
	s24 =	sld [smem:$0x3FFE];
	[sflag:s23] =	ssyncadd.s32 $0xFFFFFFFF  }
0xa5: {  	s26 =	simm.s32 $execute0_lowered;
	[smem:$0x3FD2] =	sst s25  }
0xa6: {  	s5 =	sshll.u32 s26, $0x1;
	_ =	strace $0x80000049;
	[dreg:$0x1] =	wrdreg $0xFFFFFFFF  }
0xa7: {  	s28 =	simm.s32 $_size_execute0_lowered;
	s3 =	sadd.s32 s3, s5;
	[dreg:$0x0] =	wrdreg $0x0  }
0xa8: {  	s5 =	sshll.u32 s28, $0x1;
	[dreg:$0x2] =	wrdreg s3  }
0xa9: {  	[dreg:$0x3] =	wrdreg s5  }
0xaa: {  	[dreg:$0x4] =	wrdreg $0xC0  }
0xab: {  	_ =	task [dreg:s7], $0x5FFFF  }
0xac: {  	[dreg:$0x1] =	wrdreg $0xFFFFFFFF  }
0xad: {  	[dreg:$0x0] =	wrdreg $0x60  }
0xae: {  	[dreg:$0x2] =	wrdreg s2  }
0xaf: {  	[dreg:$0x3] =	wrdreg s24  }
0xb0: {  	[dreg:$0x4] =	wrdreg $0x9  }
0xb1: {  	_ =	task.clear_ibuf [dreg:s7], $0x5FFFF;
	_ =	strace $0x90000049  }
0xb2: {  	s29 =	simm.s32 $0x9;
	_ =	strace $0x8000004B  }
0xb3: {  	_ =	swait.ge [sflag:s29], $0x1  }
0xb4: {  	[sflag:s29] =	ssyncadd.s32 $0xFFFFFFFF  }
0xb5: {  	_ =	strace $0x9000004B  }
0xb6: {  	_ =	sfence  }
0xb7: {  	s30 =	sld [smem:$0x0];
	_ =	sdelay $0x2  }
0xb8: {  	s31 =	sshll.u32 s1, $0xD;
	s1 =	sshrl.u32 s1, $0x2  }
0xb9: {  	s3 =	sand.u32 $0x4000, s31;
	s1 =	sadd.s32 s1, s30  }
0xba: {  	s0 =	sor.u32 s3, s0;
	s1 =	sshll.u32 s1, $0x11  }
0xbb: {  	s0 =	sor.u32 s1, s0  }
0xbc: {  	s0 =	sadd.s32 $0x8F2B, s0  }
0xbd: {  	[sflag:s0] =	ssyncadd.remote.s32 $0x1  }
0xbe: {  	_ =	sfence.sel $0xFFFF  }
0xbf: {  	[dreg:$0x0] =	wrdreg $0xFFFFFFFF;
	(pc) =	sbr.abs _section_cstart, $3  }
0xc0: {  	[dreg:$0x1] =	wrdreg $0xFFFFFFFF  }
0xc1: {  	_ =	task.clear_ibuf [dreg:s7], $0x2FFFF;
	_ =	strace $0x9FFFFFFF  }
0xc2: {  	(tm) =	ssettm $0x7FFFFFFF  }
0xc3: {  	_ =	shalt  }
tec
execute0_lowered:
.L_overlay_start_1:
0x0: {  	(tag) =	ssettag $0x1  }
0x1: {  	s1 =	rddreg [dreg:$0x0]  }
0x2: {  	s6 =	rddreg [dreg:$0x1]  }
0x3: {  	s0 =	rddreg [dreg:$0x2];
	s2 =	simm.s32 $0x0;
	s3 =	srdreg.scid  }
0x4: {  	s11 =	simm.s32 $0x80;
	s12 =	simm.s32 $0x2;
	s13 =	simm.s32 $0x1  }
0x5: {  	s14 =	simm.s32 $0x8080;
	s15 =	simm.s32 $0x0;
	[smem:$0x7FF] =	sst s2  }
0x6: {  	s7 =	sand.u32 $0x1, s3;
	s4 =	sadd.s32 $0x4C6800, s6;
	s3 =	stileid.u32  }
0x7: {  	s5 =	sadd.s32 $0x386800, s6;
	s6 =	sadd.s32 $0x1600, s6;
	s8 =	ssub.s32 $0x2, s7  }
0x8: {  	_ =	strace $0x8000004A;
	s10 =	sshll.u32 s3, $0x1;
	s9 =	sshrl.u32 s8, $0x1  }
0x9: {  	s7 =	sor.u32 s7, s10;
	s10 =	simm.s32 $0x4080;
	s8 =	ssub.s32 s8, s9  }
0xa: {  	s7 =	smul.u32 $0x14, s7;
	s9 =	simm.s32 $0x3;
	s8 =	smax.u32 s8, $0x1  }
.LBB2_1:
0xb: {  	s16 =	simm.s32 $0x0  }
.LBB2_2:
0xc: {  	s17 =	sadd.s32 s7, s16  }
0xd: {  	s18 =	sshll.u32 s17, $0x4  }
0xe: {  	s18 =	sadd.s32 s1, s18  }
0xf: {  	[tilespmem:s2], [sflag:$0x3] =	stream.linear.gather [hbm4b:s18+s2], $0x80, $0x38;
	[tilespmem:$0xC080] =	vst v63  }
0x10: {  	_ =	swait.ge [sflag:s9], $0x80  }
0x11: {  	s17 =	sshll.u32 s17, $0xB;
	[sflag:s9] =	ssyncset.done $0x0  }
0x12: {  	s31 =	sadd.s32 s5, s17;
	[sflag:s9] =	ssyncadd.s32 $0xFFFFFF80  }
0x13: {  	[tilespmem:s10], [sflag:$0x2] =	stream.linear.gather [hbm4b:s31+s2], $0x4000, $0x38;
	[tilespmem:$0xC080] =	vst v63  }
0x14: {  	_ = 	snop  }
0x15: {  	[tilespmem:s11], [sflag:$0x1] =	stream.indirect.gather [hbm4b:s4+s11], $0x80, s2, s11, $0xb8;
	[tilespmem:$0xC080] =	vst v63  }
0x16: {  	_ =	swait.ge [sflag:s12], $0x4000  }
0x17: {  	[sflag:s12] =	ssyncset.done $0x0  }
0x18: {  	[sflag:s12] =	ssyncadd.s32 $0xFFFFC000  }
0x19: {  	_ =	swait.ge [sflag:s13], $0x4000  }
0x1a: {  	[sflag:s13] =	ssyncset.done $0x0  }
0x1b: {  	s21 =	simm.s32 $0x4122;
	[sflag:s13] =	ssyncadd.s32 $0xFFFFC000  }
0x1c: {  	s18 =	simm.s32 $0x122;
	v0 =	vld [tilespmem:s21+$0xFFFFFF5E]  }
0x1d: {  	v1 =	vld [tilespmem:s18+$0xFFFFFF5E];
	_ =	sdelay $0x4  }
0x1e: {  	v0 =	vadd.f32 v1, v0  }
0x1f: {  	s19 =	simm.s32 $0x8122  }
0x20: {  	[tilespmem:s19+$0xFFFFFF5E] =	vst v0  }
0x21: {  	v0 =	vld [tilespmem:s18+$0xFFFFFF6E]  }
0x22: {  	v1 =	vld [tilespmem:s21+$0xFFFFFF6E];
	_ =	sdelay $0x4  }
0x23: {  	v0 =	vadd.f32 v0, v1;
	_ =	sdelay $0x1  }
0x24: {  	[tilespmem:s19+$0xFFFFFF6E] =	vst v0  }
0x25: {  	v0 =	vld [tilespmem:s21+$0xFFFFFF7E]  }
0x26: {  	v1 =	vld [tilespmem:s18+$0xFFFFFF7E];
	_ =	sdelay $0x4  }
0x27: {  	v0 =	vadd.f32 v1, v0;
	_ =	sdelay $0x1  }
0x28: {  	[tilespmem:s19+$0xFFFFFF7E] =	vst v0  }
0x29: {  	v0 =	vld [tilespmem:s21+$0xFFFFFF80]  }
0x2a: {  	v1 =	vld [tilespmem:s18+$0xFFFFFF80];
	_ =	sdelay $0x4  }
0x2b: {  	v0 =	vadd.f32 v1, v0;
	_ =	sdelay $0x1  }
0x2c: {  	[tilespmem:s19+$0xFFFFFF80] =	vst v0  }
0x2d: {  	v0 =	vld [tilespmem:s21+$0xFFFFFFDE]  }
0x2e: {  	v1 =	vld [tilespmem:s18+$0xFFFFFFDE];
	_ =	sdelay $0x4  }
0x2f: {  	v0 =	vadd.f32 v1, v0;
	_ =	sdelay $0x1  }
0x30: {  	[tilespmem:s19+$0xFFFFFFDE] =	vst v0  }
0x31: {  	v0 =	vld [tilespmem:s21+$0xFFFFFFEE]  }
0x32: {  	v1 =	vld [tilespmem:s18+$0xFFFFFFEE];
	_ =	sdelay $0x4  }
0x33: {  	v0 =	vadd.f32 v1, v0;
	_ =	sdelay $0x1  }
0x34: {  	[tilespmem:s19+$0xFFFFFFEE] =	vst v0  }
0x35: {  	v0 =	vld [tilespmem:s21+$0xFFFFFFFE]  }
0x36: {  	v1 =	vld [tilespmem:s18+$0xFFFFFFFE];
	_ =	sdelay $0x4  }
0x37: {  	v0 =	vadd.f32 v1, v0;
	_ =	sdelay $0x1  }
0x38: {  	[tilespmem:s19+$0xFFFFFFFE] =	vst v0  }
0x39: {  	s20 =	simm.s32 $0x0;
	s22 =	simm.s32 $0x4222;
	v0 =	vld [tilespmem:s21+$0x0];
	s21 =	simm.s32 $0x8122  }
.LBB2_3:
0x3a: {  	s20 =	sadd.s32 $0x2, s20;
	v1 =	vld [tilespmem:s18+$0x0];
	s19 =	sadd.s32 $0x100, s19;
	s18 =	sadd.s32 $0x100, s18  }
0x3b: {  	p0 =	slt.u32 s20, $0x7E;
	_ =	sdelay $0x3  }
0x3c: {  	v0 =	vadd.f32 v1, v0;
	_ =	sdelay $0x1  }
0x3d: {  	[tilespmem:s21+$0x0] =	vst v0;
	s21 =	smov.u32 s19  }
0x3e: {  	v0 =	vld [tilespmem:s22+$0xFFFFFF5E]  }
0x3f: {  	v1 =	vld [tilespmem:s18+$0xFFFFFF5E];
	_ =	sdelay $0x4  }
0x40: {  	v0 =	vadd.f32 v1, v0;
	_ =	sdelay $0x1  }
0x41: {  	[tilespmem:s19+$0xFFFFFF5E] =	vst v0  }
0x42: {  	v0 =	vld [tilespmem:s18+$0xFFFFFF6E]  }
0x43: {  	v1 =	vld [tilespmem:s22+$0xFFFFFF6E];
	_ =	sdelay $0x4  }
0x44: {  	v0 =	vadd.f32 v0, v1;
	_ =	sdelay $0x1  }
0x45: {  	[tilespmem:s19+$0xFFFFFF6E] =	vst v0  }
0x46: {  	v0 =	vld [tilespmem:s22+$0xFFFFFF7E]  }
0x47: {  	v1 =	vld [tilespmem:s18+$0xFFFFFF7E];
	_ =	sdelay $0x4  }
0x48: {  	v0 =	vadd.f32 v1, v0;
	_ =	sdelay $0x1  }
0x49: {  	[tilespmem:s19+$0xFFFFFF7E] =	vst v0  }
0x4a: {  	v0 =	vld [tilespmem:s22+$0xFFFFFF80]  }
0x4b: {  	v1 =	vld [tilespmem:s18+$0xFFFFFF80];
	_ =	sdelay $0x4  }
0x4c: {  	v0 =	vadd.f32 v1, v0;
	_ =	sdelay $0x1  }
0x4d: {  	[tilespmem:s19+$0xFFFFFF80] =	vst v0  }
0x4e: {  	v0 =	vld [tilespmem:s22+$0xFFFFFFDE]  }
0x4f: {  	v1 =	vld [tilespmem:s18+$0xFFFFFFDE];
	_ =	sdelay $0x4  }
0x50: {  	v0 =	vadd.f32 v1, v0;
	_ =	sdelay $0x1  }
0x51: {  	[tilespmem:s19+$0xFFFFFFDE] =	vst v0  }
0x52: {  	v0 =	vld [tilespmem:s22+$0xFFFFFFEE]  }
0x53: {  	v1 =	vld [tilespmem:s18+$0xFFFFFFEE];
	_ =	sdelay $0x4  }
0x54: {  	v0 =	vadd.f32 v1, v0;
	_ =	sdelay $0x1  }
0x55: {  	[tilespmem:s19+$0xFFFFFFEE] =	vst v0  }
0x56: {  	v0 =	vld [tilespmem:s22+$0xFFFFFFFE]  }
0x57: {  	v1 =	vld [tilespmem:s18+$0xFFFFFFFE];
	_ =	sdelay $0x3  }
.Ltmp0:
0x58: {  	(pc) =	sbr.rel @p0 .LBB2_3-.Ltmp0, $3  }
0x59: {  	v0 =	vadd.f32 v1, v0;
	_ =	sdelay $0x1  }
0x5a: {  	[tilespmem:s19+$0xFFFFFFFE] =	vst v0  }
0x5b: {  	v0 =	vld [tilespmem:s22+$0x0];
	s22 =	sadd.s32 $0x100, s22  }
0x5c: {  	v1 =	vld [tilespmem:s18+$0x0];
	_ =	sdelay $0x4  }
0x5d: {  	s16 =	sadd.s32 $0x1, s16;
	v0 =	vadd.f32 v1, v0  }
0x5e: {  	p0 =	sne.s32 s16, $0x14  }
.Ltmp1:
0x5f: {  	s17 =	sadd.s32 s6, s17;
	[tilespmem:s21+$0x0] =	vst v0;
	(pc) =	sbr.rel @p0 .LBB2_2-.Ltmp1, $4  }
0x60: {  	[hbm4b:s17+s2] =	stream.linear.scatter [tilespmem:s14], [sflag:$0x3], $0x4000, $0x38;
	[tilespmem:$0xC080] =	vst v63  }
0x61: {  	_ =	swait.ge [sflag:s9], $0x4000  }
0x62: {  	[sflag:s9] =	ssyncset.done $0x0  }
0x63: {  	[sflag:s9] =	ssyncadd.s32 $0xFFFFC000  }
0x64: {  	s15 =	sadd.s32 $0x1, s15  }
0x65: {  	p0 =	sne.s32 s15, s8  }
.Ltmp2:
0x66: {  	_ = 	snop;
	(pc) =	sbr.rel @p0 .LBB2_1-.Ltmp2, $1  }
0x67: {  	_ =	sdelay $0x3  }
0x68: {  	_ =	sfence.sel $0x180000  }
0x69: {  	[bflag:$0x0] =	sbarrier.arrive $0xFFFF  }
0x6a: {  	p0 =	sne.s32 s3, $0x0;
	_ =	strace $0x9000004A  }
0x6b: {  	s0 =	sadd.s32 @!p0 $0x100000, s0;
	[bflag:$0x2] =	sbarrier.arrive $0xFFFF  }
0x6c: {  	[sflag:s0] =	ssyncadd.tile.s32 @!p0 $0x1;
	_ =	shalt  }
.Lfunc_end2:
_tile_overlayer_lowered:
.L_overlay_start_2:
0x6d: {  	(tag) =	ssettag $0x2  }
0x6e: {  	s0 =	rddreg [dreg:$0x0];
	s2 =	stileid.u32  }
0x6f: {  	s1 =	rddreg [dreg:$0x1];
	p0 =	sne.s32 s2, $0x0  }
0x70: {  	s3 =	rddreg [dreg:$0x2];
	[bflag:$0x3] =	sbarrier.arrive $0xFFFF;
	s2 =	simm.s32 @!p0 $0x1C03  }
0x71: {  	[timem:s3], [sflag:s2] =	dma.local @!p0 [hbm:s0], s1  }
0x72: {  	s0 =	simm.s32 @!p0 $0x3  }
0x73: {  	_ =	swait.ge @!p0 [sflag:s0], s1  }
0x74: {  	s1 =	ssub.s32 @!p0 $0x0, s1;
	[sflag:s0] =	ssyncset.done @!p0 $0x0  }
0x75: {  	[sflag:s0] =	ssyncadd.s32 @!p0 s1  }
0x76: {  	[bflag:$0x3] =	sbarrier.arrive $0xFFFF  }
0x77: {  	_ =	shalt  }

// kernel: kernel.8.cloned.1.call-start
scs
__scs_entry_jumppad:
0x0: {  	(pc) =	sbr.rel $0x88, $3  }
0x1: {  	(tag) =	ssettag $0x0;
	lr =	simm.s32 $0x1  }
0x2: {  	[smem:$0x3F96] =	sst lr;
	_ =	strace $0xD0000000  }
0x3: {  	_ = 	snop  }
0x4: {  	_ = 	snop  }
0x5: {  	_ = 	snop  }
0x6: {  	_ = 	snop  }
0x7: {  	_ = 	snop  }
__scs_overlays_trampoline_lowered:
0x8: {  	[smem:$0x3FA5] =	sst s0  }
0x9: {  	[smem:$0x3FA6] =	sst s1  }
0xa: {  	[smem:$0x3FA7] =	sst s2  }
0xb: {  	[smem:$0x3FA8] =	sst s3  }
0xc: {  	[smem:$0x3FA9] =	sst s4  }
0xd: {  	[smem:$0x3FAA] =	sst s5  }
0xe: {  	[smem:$0x3FAB] =	sst s6  }
0xf: {  	[smem:$0x3FAC] =	sst s7  }
0x10: {  	[smem:$0x3FAD] =	sst s8  }
0x11: {  	[smem:$0x3FAE] =	sst s9;
	s0 =	simm.s32 @!p0 $0x0  }
0x12: {  	s1 =	sld [smem:$0x3F94];
	s0 =	simm.s32 @p0 $0x1  }
0x13: {  	[smem:$0x3FAF] =	sst s0;
	s0 =	simm.s32 @!p1 $0x0  }
0x14: {  	s2 =	sld [smem:$0x3F93];
	s0 =	simm.s32 @p1 $0x1  }
0x15: {  	[smem:$0x3FB0] =	sst s0;
	s0 =	simm.s32 @!p2 $0x0  }
0x16: {  	s3 =	sld [smem:$0x3FDB];
	s0 =	simm.s32 @p2 $0x1  }
0x17: {  	s4 =	simm.s32 $0x1BF5;
	[smem:$0x3FB2] =	sst s0  }
0x18: {  	s0 =	sld [smem:$0x3F95];
	_ =	swait.ge [sflag:s4], $0x0  }
0x19: {  	s7 =	sld [smem:$0x3F96]  }
0x1a: {  	s8 =	sadd.s32 $0xFFFFE003, lr  }
0x1b: {  	s9 =	sadd.s32 $0xFFFFFEF7, lr;
	s5 =	simm.s32 $0xFFFFFFFF;
	p2 =	slt.u32 s8, $0xFFFFF086  }
0x1c: {  	p1 =	slt.u32 s9, $0xF7A;
	s5 =	simm.s32 @!p2 $0x0  }
0x1d: {  	s5 =	simm.s32 @p1 $0x1;
	p0 =	seq.s32 s7, s2  }
0x1e: {  	s7 =	smul.u32 @!p0 $0xF7A, s2;
	p2 =	seq.s32 @!p0 s5, $0x0  }
0x1f: {  	s9 =	smul.u32 $0xF7A, s1;
	s8 =	simm.s32 @!p0 $0x1BF5;
	p2 =	por !p2, p0  }
0x20: {  	[sflag:s8] =	ssyncset.s32 @!p0 $0xFFFFF086;
	s6 =	sadd.s32 @!p0 s3, s7;
	s7 =	simm.s32 @!p0 $0x108  }
0x21: {  	s3 =	sadd.s32 s3, s9;
	s6 =	sadd.s32 @!p0 $0x88, s6;
	s7 =	simm.s32 @p2 $0x1082  }
0x22: {  	[simem:s7], [sflag:s8] =	dma.local @!p0 [hbm:s6], $0xF7A  }
0x23: {  	s9 =	sor.u32 $0xD0000000, s2;
	s6 =	simm.s32 $0x108;
	_ =	swait.ge @!p0 [sflag:s8], $0x0  }
0x24: {  	s3 =	sadd.s32 $0x88, s3;
	s6 =	simm.s32 @!p1 $0x1082;
	[sflag:s4] =	ssyncset.s32 $0xFFFFF086  }
0x25: {  	[simem:s6], [sflag:s4] =	dma.local [hbm:s3], $0xF7A  }
0x26: {  	[smem:$0x3F96] =	sst s1;
	(tag) =	ssettag s2;
	_ =	strace s9  }
0x27: {  	s1 =	sld [smem:$0x3FA6]  }
0x28: {  	s2 =	sld [smem:$0x3FA7]  }
0x29: {  	s4 =	sld [smem:$0x3FA9]  }
0x2a: {  	p0 =	seq.s32 s5, $0x0;
	s5 =	sld [smem:$0x3FAA]  }
0x2b: {  	s6 =	sld [smem:$0x3FAB]  }
0x2c: {  	s7 =	sld [smem:$0x3FAC]  }
0x2d: {  	s3 =	simm.s32 $0x108;
	s8 =	sld [smem:$0x3FAD]  }
0x2e: {  	s3 =	simm.s32 @!p0 $0x1082;
	s9 =	sld [smem:$0x3FAE]  }
0x2f: {  	lr =	sadd.s32 s0, s3;
	s0 =	sld [smem:$0x3FA5]  }
0x30: {  	s3 =	sld [smem:$0x3FA8]  }
0x31: {  	[smem:$0x3FB1] =	sst s10  }
0x32: {  	s10 =	sld [smem:$0x3FAF];
	_ =	sdelay $0x3  }
0x33: {  	p0 =	seq.s32 s10, $0x1;
	s10 =	sld [smem:$0x3FB1];
	_ =	sdelay $0x3  }
0x34: {  	[smem:$0x3FB1] =	sst s10  }
0x35: {  	s10 =	sld [smem:$0x3FB0];
	_ =	sdelay $0x3  }
0x36: {  	p1 =	seq.s32 s10, $0x1;
	s10 =	sld [smem:$0x3FB1];
	_ =	sdelay $0x3  }
0x37: {  	[smem:$0x3FB1] =	sst s10  }
0x38: {  	s10 =	sld [smem:$0x3FB2]  }
0x39: {  	_ = 	snop;
	(pc) =	sbr.ind lr, $3  }
0x3a: {  	_ = 	snop  }
0x3b: {  	_ = 	snop  }
0x3c: {  	p2 =	seq.s32 s10, $0x1;
	s10 =	sld [smem:$0x3FB1]  }
0x3d: {  	_ =	shalt  }
0x3e: {  	_ =	shalt  }
0x3f: {  	_ =	shalt  }
0x40: {  	_ =	shalt  }
0x41: {  	_ =	shalt  }
0x42: {  	_ =	shalt  }
0x43: {  	_ =	shalt  }
0x44: {  	_ =	shalt  }
0x45: {  	_ =	shalt  }
0x46: {  	_ =	shalt  }
0x47: {  	_ =	shalt  }
0x48: {  	_ =	shalt  }
0x49: {  	_ =	shalt  }
0x4a: {  	_ =	shalt  }
0x4b: {  	_ =	shalt  }
0x4c: {  	_ =	shalt  }
0x4d: {  	_ =	shalt  }
0x4e: {  	_ =	shalt  }
0x4f: {  	_ =	shalt  }
0x50: {  	_ =	shalt  }
0x51: {  	_ =	shalt  }
0x52: {  	_ =	shalt  }
0x53: {  	_ =	shalt  }
0x54: {  	_ =	shalt  }
0x55: {  	_ =	shalt  }
0x56: {  	_ =	shalt  }
0x57: {  	_ =	shalt  }
0x58: {  	_ =	shalt  }
0x59: {  	_ =	shalt  }
0x5a: {  	_ =	shalt  }
0x5b: {  	_ =	shalt  }
0x5c: {  	_ =	shalt  }
0x5d: {  	_ =	shalt  }
0x5e: {  	_ =	shalt  }
0x5f: {  	_ =	shalt  }
0x60: {  	_ =	shalt  }
0x61: {  	_ =	shalt  }
0x62: {  	_ =	shalt  }
0x63: {  	_ =	shalt  }
0x64: {  	_ =	shalt  }
0x65: {  	_ =	shalt  }
0x66: {  	_ =	shalt  }
0x67: {  	_ =	shalt  }
0x68: {  	_ =	shalt  }
0x69: {  	_ =	shalt  }
0x6a: {  	_ =	shalt  }
0x6b: {  	_ =	shalt  }
0x6c: {  	_ =	shalt  }
0x6d: {  	_ =	shalt  }
0x6e: {  	_ =	shalt  }
0x6f: {  	_ =	shalt  }
0x70: {  	_ =	shalt  }
0x71: {  	_ =	shalt  }
0x72: {  	_ =	shalt  }
0x73: {  	_ =	shalt  }
0x74: {  	_ =	shalt  }
0x75: {  	_ =	shalt  }
0x76: {  	_ =	shalt  }
0x77: {  	_ =	shalt  }
0x78: {  	_ =	shalt  }
0x79: {  	_ =	shalt  }
0x7a: {  	_ =	shalt  }
0x7b: {  	_ =	shalt  }
0x7c: {  	_ =	shalt  }
0x7d: {  	_ =	shalt  }
0x7e: {  	_ =	shalt  }
0x7f: {  	_ =	shalt  }
0x80: {  	_ =	shalt  }
0x81: {  	_ =	shalt  }
0x82: {  	_ =	shalt  }
0x83: {  	_ =	shalt  }
0x84: {  	_ =	shalt  }
0x85: {  	_ =	shalt  }
0x86: {  	_ =	shalt  }
0x87: {  	_ =	shalt  }
.Lfunc_end0:
.L_simem_size_0:
called_computation_lowered:
.L_overlay_start_0:
0x88: {  	s2 =	sld [smem:$0x3FD9]  }
0x89: {  	s3 =	sld [smem:$0x3FFE];
	_ =	sdelay $0x1  }
0x8a: {  	s1 =	srdreg.scid  }
0x8b: {  	s0 =	sand.u32 $0x1, s1  }
0x8c: {  	s16 =	sshll.u32 s0, $0xA;
	s2 =	sadd.s32 s3, s2  }
0x8d: {  	s2 =	sadd.s32 s2, s16  }
0x8e: {  	[smem:$0x3FBD] =	sst s2  }
0x8f: {  	_ = 	snop  }
0x90: {  	(tm) =	ssettm $0x1  }
0x91: {  	s17 =	sld [smem:$0x3FFB];
	_ =	sdelay $0x3  }
0x92: {  	_ =	strace s17  }
0x93: {  	s2 =	sld [smem:$0x3FFC];
	_ =	sdelay $0x3  }
0x94: {  	_ =	strace s2  }
0x95: {  	s2 =	sld [smem:$0x3FFD];
	_ =	sdelay $0x3  }
0x96: {  	_ =	strace s2  }
0x97: {  	_ =	strace $0x8FFFFFFF  }
0x98: {  	s18 =	sld [smem:$0x3FDB];
	_ =	sdelay $0x1  }
0x99: {  	s19 =	simm.s32 $_scs_section_size  }
0x9a: {  	s4 =	simm.s32 $_size__tile_overlayer_lowered;
	s5 =	simm.s32 $_tile_overlayer_lowered  }
0x9b: {  	s22 =	simm.s32 $0x1BFF;
	s21 =	sshll.u32 s5, $0x1;
	s2 =	sadd.s32 s19, s18  }
0x9c: {  	s6 =	simm.s32 $0x0;
	s20 =	sshll.u32 s4, $0x1;
	s4 =	sadd.s32 s21, s2  }
0x9d: {  	[timem:s6], [sflag:s22] =	dma.local [hbm:s4], s20  }
0x9e: {  	_ =	swait.ge [sflag:s22], s20  }
0x9f: {  	s3 =	ssub.s32 $0x0, s20;
	[sflag:s22] =	ssyncset.done $0x0  }
0xa0: {  	[sflag:s22] =	ssyncadd.s32 s3;
	_ =	sdelay $0x1  }
0xa1: {  	s23 =	simm.s32 $0x1B8B  }
0xa2: {  	_ =	swait.ge [sflag:s23], $0x1  }
0xa3: {  	[sflag:s23] =	ssyncset.done $0x0  }
0xa4: {  	s25 =	simm.s32 $0x1B8E;
	s24 =	sld [smem:$0x3FFE];
	[sflag:s23] =	ssyncadd.s32 $0xFFFFFFFF  }
0xa5: {  	s26 =	simm.s32 $execute0_lowered;
	[smem:$0x3FD2] =	sst s25  }
0xa6: {  	s4 =	sshll.u32 s26, $0x1;
	_ =	strace $0x80000046;
	[dreg:$0x1] =	wrdreg $0xFFFFFFFF  }
0xa7: {  	s28 =	simm.s32 $_size_execute0_lowered;
	s2 =	sadd.s32 s2, s4;
	[dreg:$0x0] =	wrdreg $0x0  }
0xa8: {  	s4 =	sshll.u32 s28, $0x1;
	[dreg:$0x2] =	wrdreg s2  }
0xa9: {  	[dreg:$0x3] =	wrdreg s4  }
0xaa: {  	[dreg:$0x4] =	wrdreg $0xC0  }
0xab: {  	_ =	task [dreg:s6], $0x5FFFF  }
0xac: {  	[dreg:$0x1] =	wrdreg $0xFFFFFFFF  }
0xad: {  	[dreg:$0x0] =	wrdreg $0x60  }
0xae: {  	[dreg:$0x2] =	wrdreg s24  }
0xaf: {  	[dreg:$0x3] =	wrdreg $0x9  }
0xb0: {  	_ =	task.clear_ibuf [dreg:s6], $0x4FFFF;
	_ =	strace $0x90000046  }
0xb1: {  	s29 =	simm.s32 $0x9;
	_ =	strace $0x80000048  }
0xb2: {  	_ =	swait.ge [sflag:s29], $0x1  }
0xb3: {  	[sflag:s29] =	ssyncadd.s32 $0xFFFFFFFF  }
0xb4: {  	_ =	strace $0x90000048  }
0xb5: {  	_ =	sfence  }
0xb6: {  	s30 =	sld [smem:$0x0];
	_ =	sdelay $0x2  }
0xb7: {  	s31 =	sshll.u32 s1, $0xD;
	s1 =	sshrl.u32 s1, $0x2  }
0xb8: {  	s3 =	sand.u32 $0x4000, s31;
	s1 =	sadd.s32 s1, s30  }
0xb9: {  	s0 =	sor.u32 s3, s0;
	s1 =	sshll.u32 s1, $0x11  }
0xba: {  	s0 =	sor.u32 s1, s0  }
0xbb: {  	s0 =	sadd.s32 $0x8F2B, s0  }
0xbc: {  	[sflag:s0] =	ssyncadd.remote.s32 $0x1  }
0xbd: {  	_ =	sfence.sel $0xFFFF  }
0xbe: {  	[dreg:$0x0] =	wrdreg $0xFFFFFFFF;
	(pc) =	sbr.abs _section_cstart, $3  }
0xbf: {  	[dreg:$0x1] =	wrdreg $0xFFFFFFFF  }
0xc0: {  	_ =	task.clear_ibuf [dreg:s6], $0x2FFFF;
	_ =	strace $0x9FFFFFFF  }
0xc1: {  	(tm) =	ssettm $0x7FFFFFFF  }
tec
execute0_lowered:
.L_overlay_start_1:
0x0: {  	(tag) =	ssettag $0x1  }
0x1: {  	s8 =	rddreg [dreg:$0x0]  }
0x2: {  	s0 =	rddreg [dreg:$0x1];
	s1 =	simm.s32 $0x0  }
0x3: {  	s2 =	srdreg.scid;
	s13 =	simm.s32 $0x80;
	s14 =	simm.s32 $0x100  }
0x4: {  	s15 =	simm.s32 $0x4100;
	s16 =	simm.s32 $0x1;
	s17 =	simm.s32 $0x2  }
0x5: {  	s18 =	simm.s32 $0x8100;
	s19 =	simm.s32 $0x0;
	[smem:$0x7FF] =	sst s1  }
0x6: {  	s3 =	sadd.s32 $0x1600, s8;
	s4 =	sadd.s32 $0x3E00, s8;
	s9 =	sand.u32 $0x1, s2  }
0x7: {  	s5 =	sadd.s32 $0x6600, s8;
	s2 =	stileid.u32;
	s6 =	sadd.s32 $0x1C6600, s8  }
0x8: {  	s7 =	sadd.s32 $0x386600, s8;
	s8 =	sadd.s32 $0x386800, s8;
	s10 =	ssub.s32 $0x2, s9  }
0x9: {  	_ =	strace $0x80000047;
	s12 =	sshll.u32 s2, $0x1;
	s11 =	sshrl.u32 s10, $0x1  }
0xa: {  	s9 =	sor.u32 s9, s12;
	s12 =	simm.s32 $0x3;
	s10 =	ssub.s32 s10, s11  }
0xb: {  	s9 =	smul.u32 $0x14, s9;
	s11 =	simm.s32 $0xC100;
	s10 =	smax.u32 s10, $0x1  }
.LBB2_1:
0xc: {  	[tilespmem:s11], [sflag:$0x3] =	stream.linear.gather [hbm4b:s7+s1], $0x80, $0x38;
	[tilespmem:$0xC180] =	vst v63  }
0xd: {  	_ =	swait.ge [sflag:s12], $0x80  }
0xe: {  	[sflag:s12] =	ssyncset.done $0x0  }
0xf: {  	[sflag:s12] =	ssyncadd.s32 $0xFFFFFF80  }
0x10: {  	s20 =	simm.s32 $0x0;
	v0 =	vld [tilespmem:$0xC100]  }
.LBB2_2:
0x11: {  	s21 =	sadd.s32 s9, s20  }
0x12: {  	s22 =	sshll.u32 s21, $0x4  }
0x13: {  	s23 =	sadd.s32 s3, s22  }
0x14: {  	[tilespmem:s1], [sflag:$0x3] =	stream.linear.gather [hbm4b:s23+s1], $0x80, $0x38;
	[tilespmem:$0xC180] =	vst v63  }
0x15: {  	_ =	swait.ge [sflag:s12], $0x80  }
0x16: {  	[sflag:s12] =	ssyncset.done $0x0  }
0x17: {  	s22 =	sadd.s32 s4, s22;
	[sflag:s12] =	ssyncadd.s32 $0xFFFFFF80  }
0x18: {  	[tilespmem:s13], [sflag:$0x3] =	stream.linear.gather [hbm4b:s22+s1], $0x80, $0x38;
	[tilespmem:$0xC180] =	vst v63  }
0x19: {  	_ =	swait.ge [sflag:s12], $0x80  }
0x1a: {  	[sflag:s12] =	ssyncset.done $0x0  }
0x1b: {  	[sflag:s12] =	ssyncadd.s32 $0xFFFFFF80  }
0x1c: {  	[tilespmem:s14], [sflag:$0x1] =	stream.indirect.gather [hbm4b:s5+s13], $0x80, s1, s13, $0xb8;
	[tilespmem:$0xC180] =	vst v63  }
0x1d: {  	_ = 	snop  }
0x1e: {  	[tilespmem:s15], [sflag:$0x2] =	stream.indirect.gather [hbm4b:s6+s13], $0x80, s13, s13, $0xb8;
	[tilespmem:$0xC180] =	vst v63  }
0x1f: {  	_ =	swait.ge [sflag:s16], $0x4000  }
0x20: {  	[sflag:s16] =	ssyncset.done $0x0  }
0x21: {  	[sflag:s16] =	ssyncadd.s32 $0xFFFFC000  }
0x22: {  	_ =	swait.ge [sflag:s17], $0x4000  }
0x23: {  	[sflag:s17] =	ssyncset.done $0x0  }
0x24: {  	s24 =	simm.s32 $0x1A2;
	[sflag:s17] =	ssyncadd.s32 $0xFFFFC000  }
0x25: {  	s22 =	simm.s32 $0x41A2;
	v1 =	vld [tilespmem:s24+$0xFFFFFF5E]  }
0x26: {  	v2 =	vld [tilespmem:s22+$0xFFFFFF5E];
	_ =	sdelay $0x4  }
0x27: {  	v1 =	vadd.f32 v2, v1;
	_ =	sdelay $0x1  }
0x28: {  	v1 =	vmul.f32 v1, v0  }
0x29: {  	s23 =	simm.s32 $0x81A2  }
0x2a: {  	[tilespmem:s23+$0xFFFFFF5E] =	vst v1  }
0x2b: {  	v1 =	vld [tilespmem:s24+$0xFFFFFF6E]  }
0x2c: {  	v2 =	vld [tilespmem:s22+$0xFFFFFF6E];
	_ =	sdelay $0x4  }
0x2d: {  	v1 =	vadd.f32 v2, v1;
	_ =	sdelay $0x1  }
0x2e: {  	v1 =	vmul.f32 v1, v0;
	_ =	sdelay $0x1  }
0x2f: {  	[tilespmem:s23+$0xFFFFFF6E] =	vst v1  }
0x30: {  	v1 =	vld [tilespmem:s24+$0xFFFFFF7E]  }
0x31: {  	v2 =	vld [tilespmem:s22+$0xFFFFFF7E];
	_ =	sdelay $0x4  }
0x32: {  	v1 =	vadd.f32 v2, v1;
	_ =	sdelay $0x1  }
0x33: {  	v1 =	vmul.f32 v1, v0;
	_ =	sdelay $0x1  }
0x34: {  	[tilespmem:s23+$0xFFFFFF7E] =	vst v1  }
0x35: {  	v1 =	vld [tilespmem:s24+$0xFFFFFF80]  }
0x36: {  	v2 =	vld [tilespmem:s22+$0xFFFFFF80];
	_ =	sdelay $0x4  }
0x37: {  	v1 =	vadd.f32 v2, v1;
	_ =	sdelay $0x1  }
0x38: {  	v1 =	vmul.f32 v1, v0;
	_ =	sdelay $0x1  }
0x39: {  	[tilespmem:s23+$0xFFFFFF80] =	vst v1  }
0x3a: {  	v1 =	vld [tilespmem:s24+$0xFFFFFFDE]  }
0x3b: {  	v2 =	vld [tilespmem:s22+$0xFFFFFFDE];
	_ =	sdelay $0x4  }
0x3c: {  	v1 =	vadd.f32 v2, v1;
	_ =	sdelay $0x1  }
0x3d: {  	v1 =	vmul.f32 v1, v0;
	_ =	sdelay $0x1  }
0x3e: {  	[tilespmem:s23+$0xFFFFFFDE] =	vst v1  }
0x3f: {  	v1 =	vld [tilespmem:s24+$0xFFFFFFEE]  }
0x40: {  	v2 =	vld [tilespmem:s22+$0xFFFFFFEE];
	_ =	sdelay $0x4  }
0x41: {  	v1 =	vadd.f32 v2, v1;
	_ =	sdelay $0x1  }
0x42: {  	v1 =	vmul.f32 v1, v0;
	_ =	sdelay $0x1  }
0x43: {  	[tilespmem:s23+$0xFFFFFFEE] =	vst v1  }
0x44: {  	v1 =	vld [tilespmem:s24+$0xFFFFFFFE]  }
0x45: {  	v2 =	vld [tilespmem:s22+$0xFFFFFFFE];
	_ =	sdelay $0x4  }
0x46: {  	v1 =	vadd.f32 v2, v1;
	_ =	sdelay $0x1  }
0x47: {  	v1 =	vmul.f32 v1, v0;
	_ =	sdelay $0x1  }
0x48: {  	[tilespmem:s23+$0xFFFFFFFE] =	vst v1  }
0x49: {  	v1 =	vld [tilespmem:s24+$0x0]  }
0x4a: {  	v2 =	vld [tilespmem:s22+$0x0]  }
0x4b: {  	s25 =	simm.s32 $0x0;
	s26 =	simm.s32 $0x2A2;
	s24 =	simm.s32 $0x81A2  }
.LBB2_3:
0x4c: {  	s25 =	sadd.s32 $0x2, s25;
	s23 =	sadd.s32 $0x100, s23;
	s22 =	sadd.s32 $0x100, s22  }
0x4d: {  	p0 =	slt.u32 s25, $0x7E;
	_ =	sdelay $0x1  }
0x4e: {  	v1 =	vadd.f32 v2, v1;
	_ =	sdelay $0x1  }
0x4f: {  	v1 =	vmul.f32 v1, v0;
	_ =	sdelay $0x1  }
0x50: {  	[tilespmem:s24+$0x0] =	vst v1;
	s24 =	smov.u32 s23  }
0x51: {  	v1 =	vld [tilespmem:s26+$0xFFFFFF5E]  }
0x52: {  	v2 =	vld [tilespmem:s22+$0xFFFFFF5E];
	_ =	sdelay $0x4  }
0x53: {  	v1 =	vadd.f32 v2, v1;
	_ =	sdelay $0x1  }
0x54: {  	v1 =	vmul.f32 v1, v0;
	_ =	sdelay $0x1  }
0x55: {  	[tilespmem:s23+$0xFFFFFF5E] =	vst v1  }
0x56: {  	v1 =	vld [tilespmem:s26+$0xFFFFFF6E]  }
0x57: {  	v2 =	vld [tilespmem:s22+$0xFFFFFF6E];
	_ =	sdelay $0x4  }
0x58: {  	v1 =	vadd.f32 v2, v1;
	_ =	sdelay $0x1  }
0x59: {  	v1 =	vmul.f32 v1, v0;
	_ =	sdelay $0x1  }
0x5a: {  	[tilespmem:s23+$0xFFFFFF6E] =	vst v1  }
0x5b: {  	v1 =	vld [tilespmem:s26+$0xFFFFFF7E]  }
0x5c: {  	v2 =	vld [tilespmem:s22+$0xFFFFFF7E];
	_ =	sdelay $0x4  }
0x5d: {  	v1 =	vadd.f32 v2, v1;
	_ =	sdelay $0x1  }
0x5e: {  	v1 =	vmul.f32 v1, v0;
	_ =	sdelay $0x1  }
0x5f: {  	[tilespmem:s23+$0xFFFFFF7E] =	vst v1  }
0x60: {  	v1 =	vld [tilespmem:s26+$0xFFFFFF80]  }
0x61: {  	v2 =	vld [tilespmem:s22+$0xFFFFFF80];
	_ =	sdelay $0x4  }
0x62: {  	v1 =	vadd.f32 v2, v1;
	_ =	sdelay $0x1  }
0x63: {  	v1 =	vmul.f32 v1, v0;
	_ =	sdelay $0x1  }
0x64: {  	[tilespmem:s23+$0xFFFFFF80] =	vst v1  }
0x65: {  	v1 =	vld [tilespmem:s26+$0xFFFFFFDE]  }
0x66: {  	v2 =	vld [tilespmem:s22+$0xFFFFFFDE];
	_ =	sdelay $0x4  }
0x67: {  	v1 =	vadd.f32 v2, v1;
	_ =	sdelay $0x1  }
0x68: {  	v1 =	vmul.f32 v1, v0;
	_ =	sdelay $0x1  }
0x69: {  	[tilespmem:s23+$0xFFFFFFDE] =	vst v1  }
0x6a: {  	v1 =	vld [tilespmem:s26+$0xFFFFFFEE]  }
0x6b: {  	v2 =	vld [tilespmem:s22+$0xFFFFFFEE];
	_ =	sdelay $0x4  }
0x6c: {  	v1 =	vadd.f32 v2, v1;
	_ =	sdelay $0x1  }
0x6d: {  	v1 =	vmul.f32 v1, v0;
	_ =	sdelay $0x1  }
0x6e: {  	[tilespmem:s23+$0xFFFFFFEE] =	vst v1  }
0x6f: {  	v1 =	vld [tilespmem:s26+$0xFFFFFFFE]  }
0x70: {  	v2 =	vld [tilespmem:s22+$0xFFFFFFFE];
	_ =	sdelay $0x4  }
0x71: {  	v1 =	vadd.f32 v2, v1;
	_ =	sdelay $0x1  }
0x72: {  	v1 =	vmul.f32 v1, v0  }
.Ltmp0:
0x73: {  	(pc) =	sbr.rel @p0 .LBB2_3-.Ltmp0, $4  }
0x74: {  	[tilespmem:s23+$0xFFFFFFFE] =	vst v1  }
0x75: {  	v1 =	vld [tilespmem:s26+$0x0]  }
0x76: {  	v2 =	vld [tilespmem:s22+$0x0]  }
0x77: {  	s26 =	sadd.s32 $0x100, s26  }
0x78: {  	_ =	sdelay $0x2  }
0x79: {  	v1 =	vadd.f32 v2, v1;
	_ =	sdelay $0x1  }
0x7a: {  	s20 =	sadd.s32 $0x1, s20;
	v1 =	vmul.f32 v1, v0  }
0x7b: {  	s21 =	sshll.u32 s21, $0xB;
	p0 =	sne.s32 s20, $0x14  }
.Ltmp1:
0x7c: {  	s21 =	sadd.s32 s8, s21;
	[tilespmem:s24+$0x0] =	vst v1;
	(pc) =	sbr.rel @p0 .LBB2_2-.Ltmp1, $4  }
0x7d: {  	[hbm4b:s21+s1] =	stream.linear.scatter [tilespmem:s18], [sflag:$0x3], $0x4000, $0x38;
	[tilespmem:$0xC180] =	vst v63  }
0x7e: {  	_ =	swait.ge [sflag:s12], $0x4000  }
0x7f: {  	[sflag:s12] =	ssyncset.done $0x0  }
0x80: {  	[sflag:s12] =	ssyncadd.s32 $0xFFFFC000  }
0x81: {  	s19 =	sadd.s32 $0x1, s19  }
0x82: {  	p0 =	sne.s32 s19, s10  }
.Ltmp2:
0x83: {  	_ = 	snop;
	(pc) =	sbr.rel @p0 .LBB2_1-.Ltmp2, $1  }
0x84: {  	_ =	sdelay $0x3  }
0x85: {  	_ =	sfence.sel $0x180000  }
0x86: {  	[bflag:$0x0] =	sbarrier.arrive $0xFFFF  }
0x87: {  	p0 =	sne.s32 s2, $0x0;
	_ =	strace $0x90000047  }
0x88: {  	s0 =	sadd.s32 @!p0 $0x100000, s0;
	[bflag:$0x2] =	sbarrier.arrive $0xFFFF  }
0x89: {  	[sflag:s0] =	ssyncadd.tile.s32 @!p0 $0x1;
	_ =	shalt  }
.Lfunc_end2:
_tile_overlayer_lowered:
.L_overlay_start_2:
0x8a: {  	(tag) =	ssettag $0x2  }
0x8b: {  	s0 =	rddreg [dreg:$0x0];
	s2 =	stileid.u32  }
0x8c: {  	s1 =	rddreg [dreg:$0x1];
	p0 =	sne.s32 s2, $0x0  }
0x8d: {  	s3 =	rddreg [dreg:$0x2];
	[bflag:$0x3] =	sbarrier.arrive $0xFFFF;
	s2 =	simm.s32 @!p0 $0x1C03  }
0x8e: {  	[timem:s3], [sflag:s2] =	dma.local @!p0 [hbm:s0], s1  }
0x8f: {  	s0 =	simm.s32 @!p0 $0x3  }
0x90: {  	_ =	swait.ge @!p0 [sflag:s0], s1  }
0x91: {  	s1 =	ssub.s32 @!p0 $0x0, s1;
	[sflag:s0] =	ssyncset.done @!p0 $0x0  }
0x92: {  	[sflag:s0] =	ssyncadd.s32 @!p0 s1  }
0x93: {  	[bflag:$0x3] =	sbarrier.arrive $0xFFFF  }
0x94: {  	_ =	shalt  }

</sc_bundles>
